<compile_context>
chip_gen: v7x
topology: tpu7x:2x2x1
jax: 0.10.2.dev20260603
libtpu: 0.0.44.dev20260713+nightly
codegen_flags: <defaults>
</compile_context>

<pallas_src>
import functools

import jax
import jax.numpy as jnp
from jax import lax
from jax.experimental import pallas as pl
from jax.experimental.pallas import tpu as pltpu
from jax.experimental.pallas import tpu_sc as plsc

DIM = 128
M = 200
B = 4096
NC, NS = 2, 16
NW = NC * NS
EPW = B // NW
MA = 128
MB = M - MA


def _sc_embed(emb, uidx, items):
    mesh = plsc.VectorSubcoreMesh(core_axis_name="c", subcore_axis_name="s")
    out_type = (
        jax.ShapeDtypeStruct((B, DIM), jnp.float32),
        jax.ShapeDtypeStruct((B, DIM), jnp.float32),
    )

    @functools.partial(
        pl.kernel,
        mesh=mesh,
        out_type=out_type,
        scratch_types=[
            pltpu.VMEM((EPW * M,), jnp.int32),
            pltpu.VMEM((MA, DIM), jnp.float32),
            pltpu.VMEM((MB, DIM), jnp.float32),
            pltpu.VMEM((MA, DIM), jnp.float32),
            pltpu.VMEM((MB, DIM), jnp.float32),
            pltpu.VMEM((EPW, DIM), jnp.float32),
            pltpu.VMEM((EPW,), jnp.int32),
            pltpu.VMEM((EPW, DIM), jnp.float32),
            pltpu.SemaphoreType.DMA,
            pltpu.SemaphoreType.DMA,
            pltpu.SemaphoreType.DMA,
        ],
    )
    def k(emb_hbm, uidx_hbm, items_hbm, eu_hbm, ev_hbm,
          idx_v, rows_a0, rows_b0, rows_a1, rows_b1, eu_v, it_v, ev_v,
          sem0, sem1, semx):
        wid = lax.axis_index("s") * NC + lax.axis_index("c")
        base = wid * EPW

        pltpu.sync_copy(items_hbm.at[pl.ds(base, EPW)], it_v)
        pltpu.async_copy(emb_hbm.at[it_v], ev_v, semx).wait()
        pltpu.sync_copy(ev_v, ev_hbm.at[pl.ds(base, EPW)])

        pltpu.sync_copy(uidx_hbm.at[pl.ds(base * M, EPW * M)], idx_v)

        def issue(e, ra, rb, sem):
            off_a = pl.multiple_of(e * M, 8)
            off_b = pl.multiple_of(e * M + MA, 8)
            pltpu.async_copy(emb_hbm.at[idx_v.at[pl.ds(off_a, MA)]], ra, sem)
            pltpu.async_copy(emb_hbm.at[idx_v.at[pl.ds(off_b, MB)]], rb, sem)

        def wait_set(ra, rb, sem):
            pltpu.make_async_copy(
                emb_hbm.at[idx_v.at[pl.ds(0, MA)]], ra, sem).wait()
            pltpu.make_async_copy(
                emb_hbm.at[idx_v.at[pl.ds(0, MB)]], rb, sem).wait()

        def accum(e, ra, rb):
            def body_a(r4, accs):
                a = accs
                for u in range(4):
                    a = tuple(a[c] + ra[r4 * 4 + u, pl.ds(c * 16, 16)]
                              for c in range(8))
                return a

            accs = lax.fori_loop(
                0, MA // 4, body_a,
                tuple(jnp.zeros((16,), jnp.float32) for _ in range(8)))

            def body_b(r4, accs):
                a = accs
                for u in range(4):
                    a = tuple(a[c] + rb[r4 * 4 + u, pl.ds(c * 16, 16)]
                              for c in range(8))
                return a

            accs = lax.fori_loop(0, MB // 4, body_b, accs)
            for c in range(8):
                eu_v[e, pl.ds(c * 16, 16)] = accs[c] * (1.0 / M)

        issue(0, rows_a0, rows_b0, sem0)

        @pl.loop(0, EPW // 2)
        def per_pair(g):
            e0 = g * 2
            issue(e0 + 1, rows_a1, rows_b1, sem1)
            wait_set(rows_a0, rows_b0, sem0)
            accum(e0, rows_a0, rows_b0)

            @pl.when(e0 + 2 < EPW)
            def _():
                issue(e0 + 2, rows_a0, rows_b0, sem0)

            wait_set(rows_a1, rows_b1, sem1)
            accum(e0 + 1, rows_a1, rows_b1)

        pltpu.sync_copy(eu_v, eu_hbm.at[pl.ds(base, EPW)])

    return k(emb, uidx, items)


def _tc_score_body(eu_ref, ev_ref, y_ref, s_ref, loss_ref):
    d = jnp.sum(eu_ref[...] * ev_ref[...], axis=1, keepdims=True)
    s = jax.nn.sigmoid(d)
    s_ref[...] = s
    y = y_ref[...]
    eps = 1e-12
    sc = jnp.clip(s, eps, 1.0 - eps)
    bl = y * jnp.log(sc) + (1.0 - y) * jnp.log(1.0 - sc)
    loss_ref[...] = -jnp.sum(bl, axis=(0, 1), keepdims=True) * (1.0 / B)


def _tc_score(eu, ev, y):
    return pl.pallas_call(
        _tc_score_body,
        out_shape=(
            jax.ShapeDtypeStruct((B, 1), jnp.float32),
            jax.ShapeDtypeStruct((1, 1), jnp.float32),
        ),
    )(eu, ev, y)


def kernel(entity_emb, items, labels, user_triple_set, item_triple_set):
    uidx = user_triple_set[0, 0].astype(jnp.int32).reshape(-1)
    it = items.astype(jnp.int32)
    eu, ev = _sc_embed(entity_emb, uidx, it)
    y = labels.astype(jnp.float32).reshape(B, 1)
    s, loss = _tc_score(eu, ev, y)
    return s.reshape(B), loss[0, 0]

# --- scband reference (transcript-rebuilt; emitter-appended) ---
"""Pipeline reference for scband-hop0-ckan-32263794327778 (READ-ONLY COPY).

The authoritative reference and input builder live on the scoring server;
editing this copy changes nothing except your own understanding.
"""

import jax, jax.numpy as jnp
import numpy as np

N_ENTITY = 100000
N_RELATION = 100
DIM = 128
B = 4096
M = 200


def setup_inputs(seed: int = 0) -> dict:
    key = jax.random.key(seed)
    k1, k2, k3, k4, k5 = jax.random.split(key, 5)
    # Learned parameters (xavier-uniform-like scale for embedding table)
    bound = float(np.sqrt(6.0 / (N_ENTITY + 1 + DIM)))
    entity_emb = jax.random.uniform(k1, (N_ENTITY + 1, DIM), dtype=jnp.float32, minval=-bound, maxval=bound)
    items = jax.random.randint(k2, (B,), 0, N_ENTITY)
    labels = jax.random.randint(k3, (B,), 0, 2)
    user_triple_set = jax.random.randint(k4, (1, 3, B, M), 0, N_ENTITY)
    item_triple_set = jax.random.randint(k5, (1, 3, B, M), 0, N_ENTITY)
    return {
        "entity_emb": entity_emb,
        "items": items,
        "labels": labels,
        "user_triple_set": user_triple_set,
        "item_triple_set": item_triple_set,
    }


def reference(entity_emb, items, labels, user_triple_set, item_triple_set):
    # hop-0 user representation: gather head entities of hop-0 triples, mean over memory dim
    user_emb_0 = jnp.take(entity_emb, user_triple_set[0][0], axis=0)  # [B, M, DIM]
    e_u = user_emb_0.mean(axis=1)                                      # [B, DIM]
    # item representation: direct embedding lookup
    e_v = jnp.take(entity_emb, items, axis=0)                          # [B, DIM]
    # predict: inner product + sigmoid
    scores = jax.nn.sigmoid(jnp.sum(e_v * e_u, axis=1))                # [B]
    # BCE loss (mean reduction), matching nn.BCELoss
    y = labels.astype(jnp.float32)
    eps = 1e-12
    s = jnp.clip(scores, eps, 1.0 - eps)
    base_loss = -jnp.mean(y * jnp.log(s) + (1.0 - y) * jnp.log(1.0 - s))
    return (scores, base_loss)

if __name__ == "__main__":
    import jax
    _d = setup_inputs()
    print(jax.jit(kernel)(*tuple(_d.values())))

</pallas_src>

<mosaic_0001>
#map = affine_map<(d0, d1) -> (0, 0)>
#map1 = affine_map<(d0, d1) -> (0)>
module attributes {stable_mosaic.version = 14 : i64} {
  func.func @k(%arg0: i32, %arg1: i32, %arg2: memref<100001x128xf32, #tpu.memory_space<hbm>>, %arg3: memref<819200xi32, #tpu.memory_space<hbm>>, %arg4: memref<4096xi32, #tpu.memory_space<hbm>>, %arg5: memref<4096x128xf32, #tpu.memory_space<hbm>>, %arg6: memref<4096x128xf32, #tpu.memory_space<hbm>>, %arg7: memref<25600xi32, #tpu.memory_space<vmem>>, %arg8: memref<128x128xf32, #tpu.memory_space<vmem>>, %arg9: memref<72x128xf32, #tpu.memory_space<vmem>>, %arg10: memref<128x128xf32, #tpu.memory_space<vmem>>, %arg11: memref<72x128xf32, #tpu.memory_space<vmem>>, %arg12: memref<128x128xf32, #tpu.memory_space<vmem>>, %arg13: memref<128xi32, #tpu.memory_space<vmem>>, %arg14: memref<128x128xf32, #tpu.memory_space<vmem>>, %arg15: memref<!tpu.dma_semaphore, #tpu.memory_space<semaphore_mem>>, %arg16: memref<!tpu.dma_semaphore, #tpu.memory_space<semaphore_mem>>, %arg17: memref<!tpu.dma_semaphore, #tpu.memory_space<semaphore_mem>>) attributes {dimension_semantics = [#tpu.dimension_semantics<core_parallel>, #tpu.dimension_semantics<subcore_parallel>], iteration_bounds = array<i64: 2, 16>, scalar_prefetch = 0 : i64, scratch_operands = 11 : i64, tpu.core_type = #tpu.core_type<sc_vector_subcore>, window_params = [{transform_indices = #map}, {transform_indices = #map1}, {transform_indices = #map1}, {transform_indices = #map}, {transform_indices = #map}]} {
    %mul3A = arith.constant 2 : i32
    %mul3A_0 = arith.muli %arg1, %mul3A : i32
    %add3A = arith.addi %mul3A_0, %arg0 : i32
    %mul3A_1 = arith.constant 128 : i32
    %mul3A_2 = arith.muli %add3A, %mul3A_1 : i32
    "tpu.region"() ({
      %run_scoped3A = tpu.sem_alloc : memref<!tpu.dma_semaphore, #tpu.memory_space<semaphore_mem>>
      %dma_start3A_24 = tpu.memref_slice %arg4[%mul3A_2] : memref<4096xi32, #tpu.memory_space<hbm>> -> memref<128xi32, #tpu.memory_space<hbm>>
      %dma_start3A_25 = tpu.memref_slice %arg4[%mul3A_2] : memref<4096xi32, #tpu.memory_space<hbm>> -> memref<128xi32, #tpu.memory_space<hbm>>
      tpu.enqueue_dma source(%dma_start3A_25 : memref<128xi32, #tpu.memory_space<hbm>>) target(%arg13 : memref<128xi32, #tpu.memory_space<vmem>>) target_semaphore(%run_scoped3A : memref<!tpu.dma_semaphore, #tpu.memory_space<semaphore_mem>>)
      %dma_wait3A_26 = tpu.memref_slice %arg4[%mul3A_2] : memref<4096xi32, #tpu.memory_space<hbm>> -> memref<128xi32, #tpu.memory_space<hbm>>
      %dma_wait3A_27 = tpu.memref_slice %arg4[%mul3A_2] : memref<4096xi32, #tpu.memory_space<hbm>> -> memref<128xi32, #tpu.memory_space<hbm>>
      tpu.wait_dma2 semaphore(%run_scoped3A : memref<!tpu.dma_semaphore, #tpu.memory_space<semaphore_mem>>) src(%dma_wait3A_27 : memref<128xi32, #tpu.memory_space<hbm>>) dst(%arg13 : memref<128xi32, #tpu.memory_space<vmem>>)
      tpu.yield
    }) : () -> ()
    %dma_start3A = arith.constant 0 : i32
    %dma_start3A_3 = arith.constant 0 : i32
    %dma_start3A_4 = tpu.memref_slice %arg2[%dma_start3A, %dma_start3A_3] : memref<100001x128xf32, #tpu.memory_space<hbm>> -> memref<100001x128xf32, #tpu.memory_space<hbm>>
    tpu.enqueue_indirect_dma source(%dma_start3A_4 : memref<100001x128xf32, #tpu.memory_space<hbm>>) target(%arg14 : memref<128x128xf32, #tpu.memory_space<vmem>>) offsets(%arg13 : memref<128xi32, #tpu.memory_space<vmem>>) semaphore(%arg17 : memref<!tpu.dma_semaphore, #tpu.memory_space<semaphore_mem>>)
    %dma_wait3A = arith.constant 0 : i32
    %dma_wait3A_5 = arith.constant 0 : i32
    %dma_wait3A_6 = tpu.memref_slice %arg2[%dma_wait3A, %dma_wait3A_5] : memref<100001x128xf32, #tpu.memory_space<hbm>> -> memref<100001x128xf32, #tpu.memory_space<hbm>>
    tpu.wait_indirect_dma semaphore(%arg17 : memref<!tpu.dma_semaphore, #tpu.memory_space<semaphore_mem>>) src(%dma_wait3A_6 : memref<100001x128xf32, #tpu.memory_space<hbm>>) dst(%arg14 : memref<128x128xf32, #tpu.memory_space<vmem>>)
    "tpu.region"() ({
      %run_scoped3A = tpu.sem_alloc : memref<!tpu.dma_semaphore, #tpu.memory_space<semaphore_mem>>
      %dma_start3A_24 = arith.constant 0 : i32
      %dma_start3A_25 = tpu.memref_slice %arg6[%mul3A_2, %dma_start3A_24] : memref<4096x128xf32, #tpu.memory_space<hbm>> -> memref<128x128xf32, #tpu.memory_space<hbm>>
      %dma_start3A_26 = arith.constant 0 : i32
      %dma_start3A_27 = tpu.memref_slice %arg6[%mul3A_2, %dma_start3A_26] : memref<4096x128xf32, #tpu.memory_space<hbm>> -> memref<128x128xf32, #tpu.memory_space<hbm>>
      tpu.enqueue_dma source(%arg14 : memref<128x128xf32, #tpu.memory_space<vmem>>) target(%dma_start3A_27 : memref<128x128xf32, #tpu.memory_space<hbm>>) target_semaphore(%run_scoped3A : memref<!tpu.dma_semaphore, #tpu.memory_space<semaphore_mem>>)
      %dma_wait3A_28 = arith.constant 0 : i32
      %dma_wait3A_29 = tpu.memref_slice %arg6[%mul3A_2, %dma_wait3A_28] : memref<4096x128xf32, #tpu.memory_space<hbm>> -> memref<128x128xf32, #tpu.memory_space<hbm>>
      %dma_wait3A_30 = arith.constant 0 : i32
      %dma_wait3A_31 = tpu.memref_slice %arg6[%mul3A_2, %dma_wait3A_30] : memref<4096x128xf32, #tpu.memory_space<hbm>> -> memref<128x128xf32, #tpu.memory_space<hbm>>
      tpu.wait_dma2 semaphore(%run_scoped3A : memref<!tpu.dma_semaphore, #tpu.memory_space<semaphore_mem>>) src(%arg14 : memref<128x128xf32, #tpu.memory_space<vmem>>) dst(%dma_wait3A_31 : memref<128x128xf32, #tpu.memory_space<hbm>>)
      tpu.yield
    }) : () -> ()
    %mul3A_7 = arith.constant 200 : i32
    %mul3A_8 = arith.muli %mul3A_2, %mul3A_7 : i32
    "tpu.region"() ({
      %run_scoped3A = tpu.sem_alloc : memref<!tpu.dma_semaphore, #tpu.memory_space<semaphore_mem>>
      %dma_start3A_24 = tpu.memref_slice %arg3[%mul3A_8] : memref<819200xi32, #tpu.memory_space<hbm>> -> memref<25600xi32, #tpu.memory_space<hbm>>
      %dma_start3A_25 = tpu.memref_slice %arg3[%mul3A_8] : memref<819200xi32, #tpu.memory_space<hbm>> -> memref<25600xi32, #tpu.memory_space<hbm>>
      tpu.enqueue_dma source(%dma_start3A_25 : memref<25600xi32, #tpu.memory_space<hbm>>) target(%arg7 : memref<25600xi32, #tpu.memory_space<vmem>>) target_semaphore(%run_scoped3A : memref<!tpu.dma_semaphore, #tpu.memory_space<semaphore_mem>>)
      %dma_wait3A_26 = tpu.memref_slice %arg3[%mul3A_8] : memref<819200xi32, #tpu.memory_space<hbm>> -> memref<25600xi32, #tpu.memory_space<hbm>>
      %dma_wait3A_27 = tpu.memref_slice %arg3[%mul3A_8] : memref<819200xi32, #tpu.memory_space<hbm>> -> memref<25600xi32, #tpu.memory_space<hbm>>
      tpu.wait_dma2 semaphore(%run_scoped3A : memref<!tpu.dma_semaphore, #tpu.memory_space<semaphore_mem>>) src(%dma_wait3A_27 : memref<25600xi32, #tpu.memory_space<hbm>>) dst(%arg7 : memref<25600xi32, #tpu.memory_space<vmem>>)
      tpu.yield
    }) : () -> ()
    %multiple_of3A = arith.constant 0 : i32
    %multiple_of3A_9 = tpu.assume_multiple %multiple_of3A, 8 : i32
    %multiple_of3A_10 = arith.constant 128 : i32
    %multiple_of3A_11 = tpu.assume_multiple %multiple_of3A_10, 8 : i32
    %dma_start3A_12 = tpu.memref_slice %arg7[%multiple_of3A_9] : memref<25600xi32, #tpu.memory_space<vmem>> -> memref<128xi32, #tpu.memory_space<vmem>>
    %dma_start3A_13 = arith.constant 0 : i32
    %dma_start3A_14 = arith.constant 0 : i32
    %dma_start3A_15 = tpu.memref_slice %arg2[%dma_start3A_13, %dma_start3A_14] : memref<100001x128xf32, #tpu.memory_space<hbm>> -> memref<100001x128xf32, #tpu.memory_space<hbm>>
    tpu.enqueue_indirect_dma source(%dma_start3A_15 : memref<100001x128xf32, #tpu.memory_space<hbm>>) target(%arg8 : memref<128x128xf32, #tpu.memory_space<vmem>>) offsets(%dma_start3A_12 : memref<128xi32, #tpu.memory_space<vmem>>) semaphore(%arg15 : memref<!tpu.dma_semaphore, #tpu.memory_space<semaphore_mem>>)
    %dma_start3A_16 = tpu.memref_slice %arg7[%multiple_of3A_11] : memref<25600xi32, #tpu.memory_space<vmem>> -> memref<72xi32, #tpu.memory_space<vmem>>
    %dma_start3A_17 = arith.constant 0 : i32
    %dma_start3A_18 = arith.constant 0 : i32
    %dma_start3A_19 = tpu.memref_slice %arg2[%dma_start3A_17, %dma_start3A_18] : memref<100001x128xf32, #tpu.memory_space<hbm>> -> memref<100001x128xf32, #tpu.memory_space<hbm>>
    tpu.enqueue_indirect_dma source(%dma_start3A_19 : memref<100001x128xf32, #tpu.memory_space<hbm>>) target(%arg9 : memref<72x128xf32, #tpu.memory_space<vmem>>) offsets(%dma_start3A_16 : memref<72xi32, #tpu.memory_space<vmem>>) semaphore(%arg15 : memref<!tpu.dma_semaphore, #tpu.memory_space<semaphore_mem>>)
    %scan3A = arith.constant 0 : i32
    %scan3A_20 = arith.constant 64 : i32
    %scan3A_21 = arith.addi %scan3A, %scan3A_20 : i32
    %scan3A_22 = arith.constant 1 : i32
    scf.for %scan3A_24 = %scan3A to %scan3A_21 step %scan3A_22  : i32 {
      %mul3A_25 = arith.constant 1 : i32
      %mul3A_26 = arith.muli %scan3A_24, %mul3A_25 : i32
      %add3A_27 = arith.constant 0 : i32
      %add3A_28 = arith.addi %add3A_27, %mul3A_26 : i32
      %mul3A_29 = arith.constant 2 : i32
      %mul3A_30 = arith.muli %add3A_28, %mul3A_29 : i32
      %add3A_31 = arith.constant 1 : i32
      %add3A_32 = arith.addi %mul3A_30, %add3A_31 : i32
      %mul3A_33 = arith.constant 200 : i32
      %mul3A_34 = arith.muli %add3A_32, %mul3A_33 : i32
      %multiple_of3A_35 = tpu.assume_multiple %mul3A_34, 8 : i32
      %mul3A_36 = arith.constant 200 : i32
      %mul3A_37 = arith.muli %add3A_32, %mul3A_36 : i32
      %add3A_38 = arith.constant 128 : i32
      %add3A_39 = arith.addi %mul3A_37, %add3A_38 : i32
      %multiple_of3A_40 = tpu.assume_multiple %add3A_39, 8 : i32
      %dma_start3A_41 = tpu.memref_slice %arg7[%multiple_of3A_35] : memref<25600xi32, #tpu.memory_space<vmem>> -> memref<128xi32, #tpu.memory_space<vmem>>
      %dma_start3A_42 = arith.constant 0 : i32
      %dma_start3A_43 = arith.constant 0 : i32
      %dma_start3A_44 = tpu.memref_slice %arg2[%dma_start3A_42, %dma_start3A_43] : memref<100001x128xf32, #tpu.memory_space<hbm>> -> memref<100001x128xf32, #tpu.memory_space<hbm>>
      tpu.enqueue_indirect_dma source(%dma_start3A_44 : memref<100001x128xf32, #tpu.memory_space<hbm>>) target(%arg10 : memref<128x128xf32, #tpu.memory_space<vmem>>) offsets(%dma_start3A_41 : memref<128xi32, #tpu.memory_space<vmem>>) semaphore(%arg16 : memref<!tpu.dma_semaphore, #tpu.memory_space<semaphore_mem>>)
      %dma_start3A_45 = tpu.memref_slice %arg7[%multiple_of3A_40] : memref<25600xi32, #tpu.memory_space<vmem>> -> memref<72xi32, #tpu.memory_space<vmem>>
      %dma_start3A_46 = arith.constant 0 : i32
      %dma_start3A_47 = arith.constant 0 : i32
      %dma_start3A_48 = tpu.memref_slice %arg2[%dma_start3A_46, %dma_start3A_47] : memref<100001x128xf32, #tpu.memory_space<hbm>> -> memref<100001x128xf32, #tpu.memory_space<hbm>>
      tpu.enqueue_indirect_dma source(%dma_start3A_48 : memref<100001x128xf32, #tpu.memory_space<hbm>>) target(%arg11 : memref<72x128xf32, #tpu.memory_space<vmem>>) offsets(%dma_start3A_45 : memref<72xi32, #tpu.memory_space<vmem>>) semaphore(%arg16 : memref<!tpu.dma_semaphore, #tpu.memory_space<semaphore_mem>>)
      %dma_wait3A_49 = arith.constant 0 : i32
      %dma_wait3A_50 = tpu.memref_slice %arg7[%dma_wait3A_49] : memref<25600xi32, #tpu.memory_space<vmem>> -> memref<128xi32, #tpu.memory_space<vmem>>
      %dma_wait3A_51 = arith.constant 0 : i32
      %dma_wait3A_52 = arith.constant 0 : i32
      %dma_wait3A_53 = tpu.memref_slice %arg2[%dma_wait3A_51, %dma_wait3A_52] : memref<100001x128xf32, #tpu.memory_space<hbm>> -> memref<100001x128xf32, #tpu.memory_space<hbm>>
      tpu.wait_indirect_dma semaphore(%arg15 : memref<!tpu.dma_semaphore, #tpu.memory_space<semaphore_mem>>) src(%dma_wait3A_53 : memref<100001x128xf32, #tpu.memory_space<hbm>>) dst(%arg8 : memref<128x128xf32, #tpu.memory_space<vmem>>)
      %dma_wait3A_54 = arith.constant 0 : i32
      %dma_wait3A_55 = tpu.memref_slice %arg7[%dma_wait3A_54] : memref<25600xi32, #tpu.memory_space<vmem>> -> memref<72xi32, #tpu.memory_space<vmem>>
      %dma_wait3A_56 = arith.constant 0 : i32
      %dma_wait3A_57 = arith.constant 0 : i32
      %dma_wait3A_58 = tpu.memref_slice %arg2[%dma_wait3A_56, %dma_wait3A_57] : memref<100001x128xf32, #tpu.memory_space<hbm>> -> memref<100001x128xf32, #tpu.memory_space<hbm>>
      tpu.wait_indirect_dma semaphore(%arg15 : memref<!tpu.dma_semaphore, #tpu.memory_space<semaphore_mem>>) src(%dma_wait3A_58 : memref<100001x128xf32, #tpu.memory_space<hbm>>) dst(%arg9 : memref<72x128xf32, #tpu.memory_space<vmem>>)
      %broadcast_in_dim3A = arith.constant 0.000000e+00 : f32
      %broadcast_in_dim3A_59 = vector.broadcast %broadcast_in_dim3A : f32 to vector<16xf32>
      %broadcast_in_dim3A_60 = arith.constant 0.000000e+00 : f32
      %broadcast_in_dim3A_61 = vector.broadcast %broadcast_in_dim3A_60 : f32 to vector<16xf32>
      %broadcast_in_dim3A_62 = arith.constant 0.000000e+00 : f32
      %broadcast_in_dim3A_63 = vector.broadcast %broadcast_in_dim3A_62 : f32 to vector<16xf32>
      %broadcast_in_dim3A_64 = arith.constant 0.000000e+00 : f32
      %broadcast_in_dim3A_65 = vector.broadcast %broadcast_in_dim3A_64 : f32 to vector<16xf32>
      %broadcast_in_dim3A_66 = arith.constant 0.000000e+00 : f32
      %broadcast_in_dim3A_67 = vector.broadcast %broadcast_in_dim3A_66 : f32 to vector<16xf32>
      %broadcast_in_dim3A_68 = arith.constant 0.000000e+00 : f32
      %broadcast_in_dim3A_69 = vector.broadcast %broadcast_in_dim3A_68 : f32 to vector<16xf32>
      %broadcast_in_dim3A_70 = arith.constant 0.000000e+00 : f32
      %broadcast_in_dim3A_71 = vector.broadcast %broadcast_in_dim3A_70 : f32 to vector<16xf32>
      %broadcast_in_dim3A_72 = arith.constant 0.000000e+00 : f32
      %broadcast_in_dim3A_73 = vector.broadcast %broadcast_in_dim3A_72 : f32 to vector<16xf32>
      %scan3A_74 = arith.constant 0 : i32
      %scan3A_75 = arith.constant 32 : i32
      %scan3A_76 = arith.addi %scan3A_74, %scan3A_75 : i32
      %scan3A_77 = arith.constant 1 : i32
      %scan3A_78:8 = scf.for %scan3A_257 = %scan3A_74 to %scan3A_76 step %scan3A_77 iter_args(%scan3A_258 = %broadcast_in_dim3A_59, %scan3A_259 = %broadcast_in_dim3A_61, %scan3A_260 = %broadcast_in_dim3A_63, %scan3A_261 = %broadcast_in_dim3A_65, %scan3A_262 = %broadcast_in_dim3A_67, %scan3A_263 = %broadcast_in_dim3A_69, %scan3A_264 = %broadcast_in_dim3A_71, %scan3A_265 = %broadcast_in_dim3A_73) -> (vector<16xf32>, vector<16xf32>, vector<16xf32>, vector<16xf32>, vector<16xf32>, vector<16xf32>, vector<16xf32>, vector<16xf32>)  : i32 {
        %mul3A_266 = arith.constant 4 : i32
        %mul3A_267 = arith.muli %scan3A_257, %mul3A_266 : i32
        %add3A_268 = arith.constant 0 : i32
        %add3A_269 = arith.addi %mul3A_267, %add3A_268 : i32
        %get3A = arith.index_cast %add3A_269 : i32 to index
        %get3A_270 = arith.constant 0 : index
        %get3A_271 = tpu.vector_load %arg8[%get3A, %get3A_270] {strides = array<i32>} : memref<128x128xf32, #tpu.memory_space<vmem>>, vector<1x16xf32>,
        %get3A_272 = vector.shape_cast %get3A_271 : vector<1x16xf32> to vector<16xf32>
        %add3A_273 = arith.addf %scan3A_258, %get3A_272 : vector<16xf32>
        %mul3A_274 = arith.constant 4 : i32
        %mul3A_275 = arith.muli %scan3A_257, %mul3A_274 : i32
        %add3A_276 = arith.constant 0 : i32
        %add3A_277 = arith.addi %mul3A_275, %add3A_276 : i32
        %get3A_278 = arith.index_cast %add3A_277 : i32 to index
        %get3A_279 = arith.constant 16 : index
        %get3A_280 = tpu.vector_load %arg8[%get3A_278, %get3A_279] {strides = array<i32>} : memref<128x128xf32, #tpu.memory_space<vmem>>, vector<1x16xf32>,
        %get3A_281 = vector.shape_cast %get3A_280 : vector<1x16xf32> to vector<16xf32>
        %add3A_282 = arith.addf %scan3A_259, %get3A_281 : vector<16xf32>
        %mul3A_283 = arith.constant 4 : i32
        %mul3A_284 = arith.muli %scan3A_257, %mul3A_283 : i32
        %add3A_285 = arith.constant 0 : i32
        %add3A_286 = arith.addi %mul3A_284, %add3A_285 : i32
        %get3A_287 = arith.index_cast %add3A_286 : i32 to index
        %get3A_288 = arith.constant 32 : index
        %get3A_289 = tpu.vector_load %arg8[%get3A_287, %get3A_288] {strides = array<i32>} : memref<128x128xf32, #tpu.memory_space<vmem>>, vector<1x16xf32>,
        %get3A_290 = vector.shape_cast %get3A_289 : vector<1x16xf32> to vector<16xf32>
        %add3A_291 = arith.addf %scan3A_260, %get3A_290 : vector<16xf32>
        %mul3A_292 = arith.constant 4 : i32
        %mul3A_293 = arith.muli %scan3A_257, %mul3A_292 : i32
        %add3A_294 = arith.constant 0 : i32
        %add3A_295 = arith.addi %mul3A_293, %add3A_294 : i32
        %get3A_296 = arith.index_cast %add3A_295 : i32 to index
        %get3A_297 = arith.constant 48 : index
        %get3A_298 = tpu.vector_load %arg8[%get3A_296, %get3A_297] {strides = array<i32>} : memref<128x128xf32, #tpu.memory_space<vmem>>, vector<1x16xf32>,
        %get3A_299 = vector.shape_cast %get3A_298 : vector<1x16xf32> to vector<16xf32>
        %add3A_300 = arith.addf %scan3A_261, %get3A_299 : vector<16xf32>
        %mul3A_301 = arith.constant 4 : i32
        %mul3A_302 = arith.muli %scan3A_257, %mul3A_301 : i32
        %add3A_303 = arith.constant 0 : i32
        %add3A_304 = arith.addi %mul3A_302, %add3A_303 : i32
        %get3A_305 = arith.index_cast %add3A_304 : i32 to index
        %get3A_306 = arith.constant 64 : index
        %get3A_307 = tpu.vector_load %arg8[%get3A_305, %get3A_306] {strides = array<i32>} : memref<128x128xf32, #tpu.memory_space<vmem>>, vector<1x16xf32>,
        %get3A_308 = vector.shape_cast %get3A_307 : vector<1x16xf32> to vector<16xf32>
        %add3A_309 = arith.addf %scan3A_262, %get3A_308 : vector<16xf32>
        %mul3A_310 = arith.constant 4 : i32
        %mul3A_311 = arith.muli %scan3A_257, %mul3A_310 : i32
        %add3A_312 = arith.constant 0 : i32
        %add3A_313 = arith.addi %mul3A_311, %add3A_312 : i32
        %get3A_314 = arith.index_cast %add3A_313 : i32 to index
        %get3A_315 = arith.constant 80 : index
        %get3A_316 = tpu.vector_load %arg8[%get3A_314, %get3A_315] {strides = array<i32>} : memref<128x128xf32, #tpu.memory_space<vmem>>, vector<1x16xf32>,
        %get3A_317 = vector.shape_cast %get3A_316 : vector<1x16xf32> to vector<16xf32>
        %add3A_318 = arith.addf %scan3A_263, %get3A_317 : vector<16xf32>
        %mul3A_319 = arith.constant 4 : i32
        %mul3A_320 = arith.muli %scan3A_257, %mul3A_319 : i32
        %add3A_321 = arith.constant 0 : i32
        %add3A_322 = arith.addi %mul3A_320, %add3A_321 : i32
        %get3A_323 = arith.index_cast %add3A_322 : i32 to index
        %get3A_324 = arith.constant 96 : index
        %get3A_325 = tpu.vector_load %arg8[%get3A_323, %get3A_324] {strides = array<i32>} : memref<128x128xf32, #tpu.memory_space<vmem>>, vector<1x16xf32>,
        %get3A_326 = vector.shape_cast %get3A_325 : vector<1x16xf32> to vector<16xf32>
        %add3A_327 = arith.addf %scan3A_264, %get3A_326 : vector<16xf32>
        %mul3A_328 = arith.constant 4 : i32
        %mul3A_329 = arith.muli %scan3A_257, %mul3A_328 : i32
        %add3A_330 = arith.constant 0 : i32
        %add3A_331 = arith.addi %mul3A_329, %add3A_330 : i32
        %get3A_332 = arith.index_cast %add3A_331 : i32 to index
        %get3A_333 = arith.constant 112 : index
        %get3A_334 = tpu.vector_load %arg8[%get3A_332, %get3A_333] {strides = array<i32>} : memref<128x128xf32, #tpu.memory_space<vmem>>, vector<1x16xf32>,
        %get3A_335 = vector.shape_cast %get3A_334 : vector<1x16xf32> to vector<16xf32>
        %add3A_336 = arith.addf %scan3A_265, %get3A_335 : vector<16xf32>
        %mul3A_337 = arith.constant 4 : i32
        %mul3A_338 = arith.muli %scan3A_257, %mul3A_337 : i32
        %add3A_339 = arith.constant 1 : i32
        %add3A_340 = arith.addi %mul3A_338, %add3A_339 : i32
        %get3A_341 = arith.index_cast %add3A_340 : i32 to index
        %get3A_342 = arith.constant 0 : index
        %get3A_343 = tpu.vector_load %arg8[%get3A_341, %get3A_342] {strides = array<i32>} : memref<128x128xf32, #tpu.memory_space<vmem>>, vector<1x16xf32>,
        %get3A_344 = vector.shape_cast %get3A_343 : vector<1x16xf32> to vector<16xf32>
        %add3A_345 = arith.addf %add3A_273, %get3A_344 : vector<16xf32>
        %mul3A_346 = arith.constant 4 : i32
        %mul3A_347 = arith.muli %scan3A_257, %mul3A_346 : i32
        %add3A_348 = arith.constant 1 : i32
        %add3A_349 = arith.addi %mul3A_347, %add3A_348 : i32
        %get3A_350 = arith.index_cast %add3A_349 : i32 to index
        %get3A_351 = arith.constant 16 : index
        %get3A_352 = tpu.vector_load %arg8[%get3A_350, %get3A_351] {strides = array<i32>} : memref<128x128xf32, #tpu.memory_space<vmem>>, vector<1x16xf32>,
        %get3A_353 = vector.shape_cast %get3A_352 : vector<1x16xf32> to vector<16xf32>
        %add3A_354 = arith.addf %add3A_282, %get3A_353 : vector<16xf32>
        %mul3A_355 = arith.constant 4 : i32
        %mul3A_356 = arith.muli %scan3A_257, %mul3A_355 : i32
        %add3A_357 = arith.constant 1 : i32
        %add3A_358 = arith.addi %mul3A_356, %add3A_357 : i32
        %get3A_359 = arith.index_cast %add3A_358 : i32 to index
        %get3A_360 = arith.constant 32 : index
        %get3A_361 = tpu.vector_load %arg8[%get3A_359, %get3A_360] {strides = array<i32>} : memref<128x128xf32, #tpu.memory_space<vmem>>, vector<1x16xf32>,
        %get3A_362 = vector.shape_cast %get3A_361 : vector<1x16xf32> to vector<16xf32>
        %add3A_363 = arith.addf %add3A_291, %get3A_362 : vector<16xf32>
        %mul3A_364 = arith.constant 4 : i32
        %mul3A_365 = arith.muli %scan3A_257, %mul3A_364 : i32
        %add3A_366 = arith.constant 1 : i32
        %add3A_367 = arith.addi %mul3A_365, %add3A_366 : i32
        %get3A_368 = arith.index_cast %add3A_367 : i32 to index
        %get3A_369 = arith.constant 48 : index
        %get3A_370 = tpu.vector_load %arg8[%get3A_368, %get3A_369] {strides = array<i32>} : memref<128x128xf32, #tpu.memory_space<vmem>>, vector<1x16xf32>,
        %get3A_371 = vector.shape_cast %get3A_370 : vector<1x16xf32> to vector<16xf32>
        %add3A_372 = arith.addf %add3A_300, %get3A_371 : vector<16xf32>
        %mul3A_373 = arith.constant 4 : i32
        %mul3A_374 = arith.muli %scan3A_257, %mul3A_373 : i32
        %add3A_375 = arith.constant 1 : i32
        %add3A_376 = arith.addi %mul3A_374, %add3A_375 : i32
        %get3A_377 = arith.index_cast %add3A_376 : i32 to index
        %get3A_378 = arith.constant 64 : index
        %get3A_379 = tpu.vector_load %arg8[%get3A_377, %get3A_378] {strides = array<i32>} : memref<128x128xf32, #tpu.memory_space<vmem>>, vector<1x16xf32>,
        %get3A_380 = vector.shape_cast %get3A_379 : vector<1x16xf32> to vector<16xf32>
        %add3A_381 = arith.addf %add3A_309, %get3A_380 : vector<16xf32>
        %mul3A_382 = arith.constant 4 : i32
        %mul3A_383 = arith.muli %scan3A_257, %mul3A_382 : i32
        %add3A_384 = arith.constant 1 : i32
        %add3A_385 = arith.addi %mul3A_383, %add3A_384 : i32
        %get3A_386 = arith.index_cast %add3A_385 : i32 to index
        %get3A_387 = arith.constant 80 : index
        %get3A_388 = tpu.vector_load %arg8[%get3A_386, %get3A_387] {strides = array<i32>} : memref<128x128xf32, #tpu.memory_space<vmem>>, vector<1x16xf32>,
        %get3A_389 = vector.shape_cast %get3A_388 : vector<1x16xf32> to vector<16xf32>
        %add3A_390 = arith.addf %add3A_318, %get3A_389 : vector<16xf32>
        %mul3A_391 = arith.constant 4 : i32
        %mul3A_392 = arith.muli %scan3A_257, %mul3A_391 : i32
        %add3A_393 = arith.constant 1 : i32
        %add3A_394 = arith.addi %mul3A_392, %add3A_393 : i32
        %get3A_395 = arith.index_cast %add3A_394 : i32 to index
        %get3A_396 = arith.constant 96 : index
        %get3A_397 = tpu.vector_load %arg8[%get3A_395, %get3A_396] {strides = array<i32>} : memref<128x128xf32, #tpu.memory_space<vmem>>, vector<1x16xf32>,
        %get3A_398 = vector.shape_cast %get3A_397 : vector<1x16xf32> to vector<16xf32>
        %add3A_399 = arith.addf %add3A_327, %get3A_398 : vector<16xf32>
        %mul3A_400 = arith.constant 4 : i32
        %mul3A_401 = arith.muli %scan3A_257, %mul3A_400 : i32
        %add3A_402 = arith.constant 1 : i32
        %add3A_403 = arith.addi %mul3A_401, %add3A_402 : i32
        %get3A_404 = arith.index_cast %add3A_403 : i32 to index
        %get3A_405 = arith.constant 112 : index
        %get3A_406 = tpu.vector_load %arg8[%get3A_404, %get3A_405] {strides = array<i32>} : memref<128x128xf32, #tpu.memory_space<vmem>>, vector<1x16xf32>,
        %get3A_407 = vector.shape_cast %get3A_406 : vector<1x16xf32> to vector<16xf32>
        %add3A_408 = arith.addf %add3A_336, %get3A_407 : vector<16xf32>
        %mul3A_409 = arith.constant 4 : i32
        %mul3A_410 = arith.muli %scan3A_257, %mul3A_409 : i32
        %add3A_411 = arith.constant 2 : i32
        %add3A_412 = arith.addi %mul3A_410, %add3A_411 : i32
        %get3A_413 = arith.index_cast %add3A_412 : i32 to index
        %get3A_414 = arith.constant 0 : index
        %get3A_415 = tpu.vector_load %arg8[%get3A_413, %get3A_414] {strides = array<i32>} : memref<128x128xf32, #tpu.memory_space<vmem>>, vector<1x16xf32>,
        %get3A_416 = vector.shape_cast %get3A_415 : vector<1x16xf32> to vector<16xf32>
        %add3A_417 = arith.addf %add3A_345, %get3A_416 : vector<16xf32>
        %mul3A_418 = arith.constant 4 : i32
        %mul3A_419 = arith.muli %scan3A_257, %mul3A_418 : i32
        %add3A_420 = arith.constant 2 : i32
        %add3A_421 = arith.addi %mul3A_419, %add3A_420 : i32
        %get3A_422 = arith.index_cast %add3A_421 : i32 to index
        %get3A_423 = arith.constant 16 : index
        %get3A_424 = tpu.vector_load %arg8[%get3A_422, %get3A_423] {strides = array<i32>} : memref<128x128xf32, #tpu.memory_space<vmem>>, vector<1x16xf32>,
        %get3A_425 = vector.shape_cast %get3A_424 : vector<1x16xf32> to vector<16xf32>
        %add3A_426 = arith.addf %add3A_354, %get3A_425 : vector<16xf32>
        %mul3A_427 = arith.constant 4 : i32
        %mul3A_428 = arith.muli %scan3A_257, %mul3A_427 : i32
        %add3A_429 = arith.constant 2 : i32
        %add3A_430 = arith.addi %mul3A_428, %add3A_429 : i32
        %get3A_431 = arith.index_cast %add3A_430 : i32 to index
        %get3A_432 = arith.constant 32 : index
        %get3A_433 = tpu.vector_load %arg8[%get3A_431, %get3A_432] {strides = array<i32>} : memref<128x128xf32, #tpu.memory_space<vmem>>, vector<1x16xf32>,
        %get3A_434 = vector.shape_cast %get3A_433 : vector<1x16xf32> to vector<16xf32>
        %add3A_435 = arith.addf %add3A_363, %get3A_434 : vector<16xf32>
        %mul3A_436 = arith.constant 4 : i32
        %mul3A_437 = arith.muli %scan3A_257, %mul3A_436 : i32
        %add3A_438 = arith.constant 2 : i32
        %add3A_439 = arith.addi %mul3A_437, %add3A_438 : i32
        %get3A_440 = arith.index_cast %add3A_439 : i32 to index
        %get3A_441 = arith.constant 48 : index
        %get3A_442 = tpu.vector_load %arg8[%get3A_440, %get3A_441] {strides = array<i32>} : memref<128x128xf32, #tpu.memory_space<vmem>>, vector<1x16xf32>,
        %get3A_443 = vector.shape_cast %get3A_442 : vector<1x16xf32> to vector<16xf32>
        %add3A_444 = arith.addf %add3A_372, %get3A_443 : vector<16xf32>
        %mul3A_445 = arith.constant 4 : i32
        %mul3A_446 = arith.muli %scan3A_257, %mul3A_445 : i32
        %add3A_447 = arith.constant 2 : i32
        %add3A_448 = arith.addi %mul3A_446, %add3A_447 : i32
        %get3A_449 = arith.index_cast %add3A_448 : i32 to index
        %get3A_450 = arith.constant 64 : index
        %get3A_451 = tpu.vector_load %arg8[%get3A_449, %get3A_450] {strides = array<i32>} : memref<128x128xf32, #tpu.memory_space<vmem>>, vector<1x16xf32>,
        %get3A_452 = vector.shape_cast %get3A_451 : vector<1x16xf32> to vector<16xf32>
        %add3A_453 = arith.addf %add3A_381, %get3A_452 : vector<16xf32>
        %mul3A_454 = arith.constant 4 : i32
        %mul3A_455 = arith.muli %scan3A_257, %mul3A_454 : i32
        %add3A_456 = arith.constant 2 : i32
        %add3A_457 = arith.addi %mul3A_455, %add3A_456 : i32
        %get3A_458 = arith.index_cast %add3A_457 : i32 to index
        %get3A_459 = arith.constant 80 : index
        %get3A_460 = tpu.vector_load %arg8[%get3A_458, %get3A_459] {strides = array<i32>} : memref<128x128xf32, #tpu.memory_space<vmem>>, vector<1x16xf32>,
        %get3A_461 = vector.shape_cast %get3A_460 : vector<1x16xf32> to vector<16xf32>
        %add3A_462 = arith.addf %add3A_390, %get3A_461 : vector<16xf32>
        %mul3A_463 = arith.constant 4 : i32
        %mul3A_464 = arith.muli %scan3A_257, %mul3A_463 : i32
        %add3A_465 = arith.constant 2 : i32
        %add3A_466 = arith.addi %mul3A_464, %add3A_465 : i32
        %get3A_467 = arith.index_cast %add3A_466 : i32 to index
        %get3A_468 = arith.constant 96 : index
        %get3A_469 = tpu.vector_load %arg8[%get3A_467, %get3A_468] {strides = array<i32>} : memref<128x128xf32, #tpu.memory_space<vmem>>, vector<1x16xf32>,
        %get3A_470 = vector.shape_cast %get3A_469 : vector<1x16xf32> to vector<16xf32>
        %add3A_471 = arith.addf %add3A_399, %get3A_470 : vector<16xf32>
        %mul3A_472 = arith.constant 4 : i32
        %mul3A_473 = arith.muli %scan3A_257, %mul3A_472 : i32
        %add3A_474 = arith.constant 2 : i32
        %add3A_475 = arith.addi %mul3A_473, %add3A_474 : i32
        %get3A_476 = arith.index_cast %add3A_475 : i32 to index
        %get3A_477 = arith.constant 112 : index
        %get3A_478 = tpu.vector_load %arg8[%get3A_476, %get3A_477] {strides = array<i32>} : memref<128x128xf32, #tpu.memory_space<vmem>>, vector<1x16xf32>,
        %get3A_479 = vector.shape_cast %get3A_478 : vector<1x16xf32> to vector<16xf32>
        %add3A_480 = arith.addf %add3A_408, %get3A_479 : vector<16xf32>
        %mul3A_481 = arith.constant 4 : i32
        %mul3A_482 = arith.muli %scan3A_257, %mul3A_481 : i32
        %add3A_483 = arith.constant 3 : i32
        %add3A_484 = arith.addi %mul3A_482, %add3A_483 : i32
        %get3A_485 = arith.index_cast %add3A_484 : i32 to index
        %get3A_486 = arith.constant 0 : index
        %get3A_487 = tpu.vector_load %arg8[%get3A_485, %get3A_486] {strides = array<i32>} : memref<128x128xf32, #tpu.memory_space<vmem>>, vector<1x16xf32>,
        %get3A_488 = vector.shape_cast %get3A_487 : vector<1x16xf32> to vector<16xf32>
        %add3A_489 = arith.addf %add3A_417, %get3A_488 : vector<16xf32>
        %mul3A_490 = arith.constant 4 : i32
        %mul3A_491 = arith.muli %scan3A_257, %mul3A_490 : i32
        %add3A_492 = arith.constant 3 : i32
        %add3A_493 = arith.addi %mul3A_491, %add3A_492 : i32
        %get3A_494 = arith.index_cast %add3A_493 : i32 to index
        %get3A_495 = arith.constant 16 : index
        %get3A_496 = tpu.vector_load %arg8[%get3A_494, %get3A_495] {strides = array<i32>} : memref<128x128xf32, #tpu.memory_space<vmem>>, vector<1x16xf32>,
        %get3A_497 = vector.shape_cast %get3A_496 : vector<1x16xf32> to vector<16xf32>
        %add3A_498 = arith.addf %add3A_426, %get3A_497 : vector<16xf32>
        %mul3A_499 = arith.constant 4 : i32
        %mul3A_500 = arith.muli %scan3A_257, %mul3A_499 : i32
        %add3A_501 = arith.constant 3 : i32
        %add3A_502 = arith.addi %mul3A_500, %add3A_501 : i32
        %get3A_503 = arith.index_cast %add3A_502 : i32 to index
        %get3A_504 = arith.constant 32 : index
        %get3A_505 = tpu.vector_load %arg8[%get3A_503, %get3A_504] {strides = array<i32>} : memref<128x128xf32, #tpu.memory_space<vmem>>, vector<1x16xf32>,
        %get3A_506 = vector.shape_cast %get3A_505 : vector<1x16xf32> to vector<16xf32>
        %add3A_507 = arith.addf %add3A_435, %get3A_506 : vector<16xf32>
        %mul3A_508 = arith.constant 4 : i32
        %mul3A_509 = arith.muli %scan3A_257, %mul3A_508 : i32
        %add3A_510 = arith.constant 3 : i32
        %add3A_511 = arith.addi %mul3A_509, %add3A_510 : i32
        %get3A_512 = arith.index_cast %add3A_511 : i32 to index
        %get3A_513 = arith.constant 48 : index
        %get3A_514 = tpu.vector_load %arg8[%get3A_512, %get3A_513] {strides = array<i32>} : memref<128x128xf32, #tpu.memory_space<vmem>>, vector<1x16xf32>,
        %get3A_515 = vector.shape_cast %get3A_514 : vector<1x16xf32> to vector<16xf32>
        %add3A_516 = arith.addf %add3A_444, %get3A_515 : vector<16xf32>
        %mul3A_517 = arith.constant 4 : i32
        %mul3A_518 = arith.muli %scan3A_257, %mul3A_517 : i32
        %add3A_519 = arith.constant 3 : i32
        %add3A_520 = arith.addi %mul3A_518, %add3A_519 : i32
        %get3A_521 = arith.index_cast %add3A_520 : i32 to index
        %get3A_522 = arith.constant 64 : index
        %get3A_523 = tpu.vector_load %arg8[%get3A_521, %get3A_522] {strides = array<i32>} : memref<128x128xf32, #tpu.memory_space<vmem>>, vector<1x16xf32>,
        %get3A_524 = vector.shape_cast %get3A_523 : vector<1x16xf32> to vector<16xf32>
        %add3A_525 = arith.addf %add3A_453, %get3A_524 : vector<16xf32>
        %mul3A_526 = arith.constant 4 : i32
        %mul3A_527 = arith.muli %scan3A_257, %mul3A_526 : i32
        %add3A_528 = arith.constant 3 : i32
        %add3A_529 = arith.addi %mul3A_527, %add3A_528 : i32
        %get3A_530 = arith.index_cast %add3A_529 : i32 to index
        %get3A_531 = arith.constant 80 : index
        %get3A_532 = tpu.vector_load %arg8[%get3A_530, %get3A_531] {strides = array<i32>} : memref<128x128xf32, #tpu.memory_space<vmem>>, vector<1x16xf32>,
        %get3A_533 = vector.shape_cast %get3A_532 : vector<1x16xf32> to vector<16xf32>
        %add3A_534 = arith.addf %add3A_462, %get3A_533 : vector<16xf32>
        %mul3A_535 = arith.constant 4 : i32
        %mul3A_536 = arith.muli %scan3A_257, %mul3A_535 : i32
        %add3A_537 = arith.constant 3 : i32
        %add3A_538 = arith.addi %mul3A_536, %add3A_537 : i32
        %get3A_539 = arith.index_cast %add3A_538 : i32 to index
        %get3A_540 = arith.constant 96 : index
        %get3A_541 = tpu.vector_load %arg8[%get3A_539, %get3A_540] {strides = array<i32>} : memref<128x128xf32, #tpu.memory_space<vmem>>, vector<1x16xf32>,
        %get3A_542 = vector.shape_cast %get3A_541 : vector<1x16xf32> to vector<16xf32>
        %add3A_543 = arith.addf %add3A_471, %get3A_542 : vector<16xf32>
        %mul3A_544 = arith.constant 4 : i32
        %mul3A_545 = arith.muli %scan3A_257, %mul3A_544 : i32
        %add3A_546 = arith.constant 3 : i32
        %add3A_547 = arith.addi %mul3A_545, %add3A_546 : i32
        %get3A_548 = arith.index_cast %add3A_547 : i32 to index
        %get3A_549 = arith.constant 112 : index
        %get3A_550 = tpu.vector_load %arg8[%get3A_548, %get3A_549] {strides = array<i32>} : memref<128x128xf32, #tpu.memory_space<vmem>>, vector<1x16xf32>,
        %get3A_551 = vector.shape_cast %get3A_550 : vector<1x16xf32> to vector<16xf32>
        %add3A_552 = arith.addf %add3A_480, %get3A_551 : vector<16xf32>
        scf.yield %add3A_489, %add3A_498, %add3A_507, %add3A_516, %add3A_525, %add3A_534, %add3A_543, %add3A_552 : vector<16xf32>, vector<16xf32>, vector<16xf32>, vector<16xf32>, vector<16xf32>, vector<16xf32>, vector<16xf32>, vector<16xf32>
      }
      %scan3A_79 = arith.constant 32 : i32
      %scan3A_80 = arith.constant 0 : i32
      %scan3A_81 = arith.constant 18 : i32
      %scan3A_82 = arith.addi %scan3A_80, %scan3A_81 : i32
      %scan3A_83 = arith.constant 1 : i32
      %scan3A_84:8 = scf.for %scan3A_257 = %scan3A_80 to %scan3A_82 step %scan3A_83 iter_args(%scan3A_258 = %scan3A_78#0, %scan3A_259 = %scan3A_78#1, %scan3A_260 = %scan3A_78#2, %scan3A_261 = %scan3A_78#3, %scan3A_262 = %scan3A_78#4, %scan3A_263 = %scan3A_78#5, %scan3A_264 = %scan3A_78#6, %scan3A_265 = %scan3A_78#7) -> (vector<16xf32>, vector<16xf32>, vector<16xf32>, vector<16xf32>, vector<16xf32>, vector<16xf32>, vector<16xf32>, vector<16xf32>)  : i32 {
        %mul3A_266 = arith.constant 4 : i32
        %mul3A_267 = arith.muli %scan3A_257, %mul3A_266 : i32
        %add3A_268 = arith.constant 0 : i32
        %add3A_269 = arith.addi %mul3A_267, %add3A_268 : i32
        %get3A = arith.index_cast %add3A_269 : i32 to index
        %get3A_270 = arith.constant 0 : index
        %get3A_271 = tpu.vector_load %arg9[%get3A, %get3A_270] {strides = array<i32>} : memref<72x128xf32, #tpu.memory_space<vmem>>, vector<1x16xf32>,
        %get3A_272 = vector.shape_cast %get3A_271 : vector<1x16xf32> to vector<16xf32>
        %add3A_273 = arith.addf %scan3A_258, %get3A_272 : vector<16xf32>
        %mul3A_274 = arith.constant 4 : i32
        %mul3A_275 = arith.muli %scan3A_257, %mul3A_274 : i32
        %add3A_276 = arith.constant 0 : i32
        %add3A_277 = arith.addi %mul3A_275, %add3A_276 : i32
        %get3A_278 = arith.index_cast %add3A_277 : i32 to index
        %get3A_279 = arith.constant 16 : index
        %get3A_280 = tpu.vector_load %arg9[%get3A_278, %get3A_279] {strides = array<i32>} : memref<72x128xf32, #tpu.memory_space<vmem>>, vector<1x16xf32>,
        %get3A_281 = vector.shape_cast %get3A_280 : vector<1x16xf32> to vector<16xf32>
        %add3A_282 = arith.addf %scan3A_259, %get3A_281 : vector<16xf32>
        %mul3A_283 = arith.constant 4 : i32
        %mul3A_284 = arith.muli %scan3A_257, %mul3A_283 : i32
        %add3A_285 = arith.constant 0 : i32
        %add3A_286 = arith.addi %mul3A_284, %add3A_285 : i32
        %get3A_287 = arith.index_cast %add3A_286 : i32 to index
        %get3A_288 = arith.constant 32 : index
        %get3A_289 = tpu.vector_load %arg9[%get3A_287, %get3A_288] {strides = array<i32>} : memref<72x128xf32, #tpu.memory_space<vmem>>, vector<1x16xf32>,
        %get3A_290 = vector.shape_cast %get3A_289 : vector<1x16xf32> to vector<16xf32>
        %add3A_291 = arith.addf %scan3A_260, %get3A_290 : vector<16xf32>
        %mul3A_292 = arith.constant 4 : i32
        %mul3A_293 = arith.muli %scan3A_257, %mul3A_292 : i32
        %add3A_294 = arith.constant 0 : i32
        %add3A_295 = arith.addi %mul3A_293, %add3A_294 : i32
        %get3A_296 = arith.index_cast %add3A_295 : i32 to index
        %get3A_297 = arith.constant 48 : index
        %get3A_298 = tpu.vector_load %arg9[%get3A_296, %get3A_297] {strides = array<i32>} : memref<72x128xf32, #tpu.memory_space<vmem>>, vector<1x16xf32>,
        %get3A_299 = vector.shape_cast %get3A_298 : vector<1x16xf32> to vector<16xf32>
        %add3A_300 = arith.addf %scan3A_261, %get3A_299 : vector<16xf32>
        %mul3A_301 = arith.constant 4 : i32
        %mul3A_302 = arith.muli %scan3A_257, %mul3A_301 : i32
        %add3A_303 = arith.constant 0 : i32
        %add3A_304 = arith.addi %mul3A_302, %add3A_303 : i32
        %get3A_305 = arith.index_cast %add3A_304 : i32 to index
        %get3A_306 = arith.constant 64 : index
        %get3A_307 = tpu.vector_load %arg9[%get3A_305, %get3A_306] {strides = array<i32>} : memref<72x128xf32, #tpu.memory_space<vmem>>, vector<1x16xf32>,
        %get3A_308 = vector.shape_cast %get3A_307 : vector<1x16xf32> to vector<16xf32>
        %add3A_309 = arith.addf %scan3A_262, %get3A_308 : vector<16xf32>
        %mul3A_310 = arith.constant 4 : i32
        %mul3A_311 = arith.muli %scan3A_257, %mul3A_310 : i32
        %add3A_312 = arith.constant 0 : i32
        %add3A_313 = arith.addi %mul3A_311, %add3A_312 : i32
        %get3A_314 = arith.index_cast %add3A_313 : i32 to index
        %get3A_315 = arith.constant 80 : index
        %get3A_316 = tpu.vector_load %arg9[%get3A_314, %get3A_315] {strides = array<i32>} : memref<72x128xf32, #tpu.memory_space<vmem>>, vector<1x16xf32>,
        %get3A_317 = vector.shape_cast %get3A_316 : vector<1x16xf32> to vector<16xf32>
        %add3A_318 = arith.addf %scan3A_263, %get3A_317 : vector<16xf32>
        %mul3A_319 = arith.constant 4 : i32
        %mul3A_320 = arith.muli %scan3A_257, %mul3A_319 : i32
        %add3A_321 = arith.constant 0 : i32
        %add3A_322 = arith.addi %mul3A_320, %add3A_321 : i32
        %get3A_323 = arith.index_cast %add3A_322 : i32 to index
        %get3A_324 = arith.constant 96 : index
        %get3A_325 = tpu.vector_load %arg9[%get3A_323, %get3A_324] {strides = array<i32>} : memref<72x128xf32, #tpu.memory_space<vmem>>, vector<1x16xf32>,
        %get3A_326 = vector.shape_cast %get3A_325 : vector<1x16xf32> to vector<16xf32>
        %add3A_327 = arith.addf %scan3A_264, %get3A_326 : vector<16xf32>
        %mul3A_328 = arith.constant 4 : i32
        %mul3A_329 = arith.muli %scan3A_257, %mul3A_328 : i32
        %add3A_330 = arith.constant 0 : i32
        %add3A_331 = arith.addi %mul3A_329, %add3A_330 : i32
        %get3A_332 = arith.index_cast %add3A_331 : i32 to index
        %get3A_333 = arith.constant 112 : index
        %get3A_334 = tpu.vector_load %arg9[%get3A_332, %get3A_333] {strides = array<i32>} : memref<72x128xf32, #tpu.memory_space<vmem>>, vector<1x16xf32>,
        %get3A_335 = vector.shape_cast %get3A_334 : vector<1x16xf32> to vector<16xf32>
        %add3A_336 = arith.addf %scan3A_265, %get3A_335 : vector<16xf32>
        %mul3A_337 = arith.constant 4 : i32
        %mul3A_338 = arith.muli %scan3A_257, %mul3A_337 : i32
        %add3A_339 = arith.constant 1 : i32
        %add3A_340 = arith.addi %mul3A_338, %add3A_339 : i32
        %get3A_341 = arith.index_cast %add3A_340 : i32 to index
        %get3A_342 = arith.constant 0 : index
        %get3A_343 = tpu.vector_load %arg9[%get3A_341, %get3A_342] {strides = array<i32>} : memref<72x128xf32, #tpu.memory_space<vmem>>, vector<1x16xf32>,
        %get3A_344 = vector.shape_cast %get3A_343 : vector<1x16xf32> to vector<16xf32>
        %add3A_345 = arith.addf %add3A_273, %get3A_344 : vector<16xf32>
        %mul3A_346 = arith.constant 4 : i32
        %mul3A_347 = arith.muli %scan3A_257, %mul3A_346 : i32
        %add3A_348 = arith.constant 1 : i32
        %add3A_349 = arith.addi %mul3A_347, %add3A_348 : i32
        %get3A_350 = arith.index_cast %add3A_349 : i32 to index
        %get3A_351 = arith.constant 16 : index
        %get3A_352 = tpu.vector_load %arg9[%get3A_350, %get3A_351] {strides = array<i32>} : memref<72x128xf32, #tpu.memory_space<vmem>>, vector<1x16xf32>,
        %get3A_353 = vector.shape_cast %get3A_352 : vector<1x16xf32> to vector<16xf32>
        %add3A_354 = arith.addf %add3A_282, %get3A_353 : vector<16xf32>
        %mul3A_355 = arith.constant 4 : i32
        %mul3A_356 = arith.muli %scan3A_257, %mul3A_355 : i32
        %add3A_357 = arith.constant 1 : i32
        %add3A_358 = arith.addi %mul3A_356, %add3A_357 : i32
        %get3A_359 = arith.index_cast %add3A_358 : i32 to index
        %get3A_360 = arith.constant 32 : index
        %get3A_361 = tpu.vector_load %arg9[%get3A_359, %get3A_360] {strides = array<i32>} : memref<72x128xf32, #tpu.memory_space<vmem>>, vector<1x16xf32>,
        %get3A_362 = vector.shape_cast %get3A_361 : vector<1x16xf32> to vector<16xf32>
        %add3A_363 = arith.addf %add3A_291, %get3A_362 : vector<16xf32>
        %mul3A_364 = arith.constant 4 : i32
        %mul3A_365 = arith.muli %scan3A_257, %mul3A_364 : i32
        %add3A_366 = arith.constant 1 : i32
        %add3A_367 = arith.addi %mul3A_365, %add3A_366 : i32
        %get3A_368 = arith.index_cast %add3A_367 : i32 to index
        %get3A_369 = arith.constant 48 : index
        %get3A_370 = tpu.vector_load %arg9[%get3A_368, %get3A_369] {strides = array<i32>} : memref<72x128xf32, #tpu.memory_space<vmem>>, vector<1x16xf32>,
        %get3A_371 = vector.shape_cast %get3A_370 : vector<1x16xf32> to vector<16xf32>
        %add3A_372 = arith.addf %add3A_300, %get3A_371 : vector<16xf32>
        %mul3A_373 = arith.constant 4 : i32
        %mul3A_374 = arith.muli %scan3A_257, %mul3A_373 : i32
        %add3A_375 = arith.constant 1 : i32
        %add3A_376 = arith.addi %mul3A_374, %add3A_375 : i32
        %get3A_377 = arith.index_cast %add3A_376 : i32 to index
        %get3A_378 = arith.constant 64 : index
        %get3A_379 = tpu.vector_load %arg9[%get3A_377, %get3A_378] {strides = array<i32>} : memref<72x128xf32, #tpu.memory_space<vmem>>, vector<1x16xf32>,
        %get3A_380 = vector.shape_cast %get3A_379 : vector<1x16xf32> to vector<16xf32>
        %add3A_381 = arith.addf %add3A_309, %get3A_380 : vector<16xf32>
        %mul3A_382 = arith.constant 4 : i32
        %mul3A_383 = arith.muli %scan3A_257, %mul3A_382 : i32
        %add3A_384 = arith.constant 1 : i32
        %add3A_385 = arith.addi %mul3A_383, %add3A_384 : i32
        %get3A_386 = arith.index_cast %add3A_385 : i32 to index
        %get3A_387 = arith.constant 80 : index
        %get3A_388 = tpu.vector_load %arg9[%get3A_386, %get3A_387] {strides = array<i32>} : memref<72x128xf32, #tpu.memory_space<vmem>>, vector<1x16xf32>,
        %get3A_389 = vector.shape_cast %get3A_388 : vector<1x16xf32> to vector<16xf32>
        %add3A_390 = arith.addf %add3A_318, %get3A_389 : vector<16xf32>
        %mul3A_391 = arith.constant 4 : i32
        %mul3A_392 = arith.muli %scan3A_257, %mul3A_391 : i32
        %add3A_393 = arith.constant 1 : i32
        %add3A_394 = arith.addi %mul3A_392, %add3A_393 : i32
        %get3A_395 = arith.index_cast %add3A_394 : i32 to index
        %get3A_396 = arith.constant 96 : index
        %get3A_397 = tpu.vector_load %arg9[%get3A_395, %get3A_396] {strides = array<i32>} : memref<72x128xf32, #tpu.memory_space<vmem>>, vector<1x16xf32>,
        %get3A_398 = vector.shape_cast %get3A_397 : vector<1x16xf32> to vector<16xf32>
        %add3A_399 = arith.addf %add3A_327, %get3A_398 : vector<16xf32>
        %mul3A_400 = arith.constant 4 : i32
        %mul3A_401 = arith.muli %scan3A_257, %mul3A_400 : i32
        %add3A_402 = arith.constant 1 : i32
        %add3A_403 = arith.addi %mul3A_401, %add3A_402 : i32
        %get3A_404 = arith.index_cast %add3A_403 : i32 to index
        %get3A_405 = arith.constant 112 : index
        %get3A_406 = tpu.vector_load %arg9[%get3A_404, %get3A_405] {strides = array<i32>} : memref<72x128xf32, #tpu.memory_space<vmem>>, vector<1x16xf32>,
        %get3A_407 = vector.shape_cast %get3A_406 : vector<1x16xf32> to vector<16xf32>
        %add3A_408 = arith.addf %add3A_336, %get3A_407 : vector<16xf32>
        %mul3A_409 = arith.constant 4 : i32
        %mul3A_410 = arith.muli %scan3A_257, %mul3A_409 : i32
        %add3A_411 = arith.constant 2 : i32
        %add3A_412 = arith.addi %mul3A_410, %add3A_411 : i32
        %get3A_413 = arith.index_cast %add3A_412 : i32 to index
        %get3A_414 = arith.constant 0 : index
        %get3A_415 = tpu.vector_load %arg9[%get3A_413, %get3A_414] {strides = array<i32>} : memref<72x128xf32, #tpu.memory_space<vmem>>, vector<1x16xf32>,
        %get3A_416 = vector.shape_cast %get3A_415 : vector<1x16xf32> to vector<16xf32>
        %add3A_417 = arith.addf %add3A_345, %get3A_416 : vector<16xf32>
        %mul3A_418 = arith.constant 4 : i32
        %mul3A_419 = arith.muli %scan3A_257, %mul3A_418 : i32
        %add3A_420 = arith.constant 2 : i32
        %add3A_421 = arith.addi %mul3A_419, %add3A_420 : i32
        %get3A_422 = arith.index_cast %add3A_421 : i32 to index
        %get3A_423 = arith.constant 16 : index
        %get3A_424 = tpu.vector_load %arg9[%get3A_422, %get3A_423] {strides = array<i32>} : memref<72x128xf32, #tpu.memory_space<vmem>>, vector<1x16xf32>,
        %get3A_425 = vector.shape_cast %get3A_424 : vector<1x16xf32> to vector<16xf32>
        %add3A_426 = arith.addf %add3A_354, %get3A_425 : vector<16xf32>
        %mul3A_427 = arith.constant 4 : i32
        %mul3A_428 = arith.muli %scan3A_257, %mul3A_427 : i32
        %add3A_429 = arith.constant 2 : i32
        %add3A_430 = arith.addi %mul3A_428, %add3A_429 : i32
        %get3A_431 = arith.index_cast %add3A_430 : i32 to index
        %get3A_432 = arith.constant 32 : index
        %get3A_433 = tpu.vector_load %arg9[%get3A_431, %get3A_432] {strides = array<i32>} : memref<72x128xf32, #tpu.memory_space<vmem>>, vector<1x16xf32>,
        %get3A_434 = vector.shape_cast %get3A_433 : vector<1x16xf32> to vector<16xf32>
        %add3A_435 = arith.addf %add3A_363, %get3A_434 : vector<16xf32>
        %mul3A_436 = arith.constant 4 : i32
        %mul3A_437 = arith.muli %scan3A_257, %mul3A_436 : i32
        %add3A_438 = arith.constant 2 : i32
        %add3A_439 = arith.addi %mul3A_437, %add3A_438 : i32
        %get3A_440 = arith.index_cast %add3A_439 : i32 to index
        %get3A_441 = arith.constant 48 : index
        %get3A_442 = tpu.vector_load %arg9[%get3A_440, %get3A_441] {strides = array<i32>} : memref<72x128xf32, #tpu.memory_space<vmem>>, vector<1x16xf32>,
        %get3A_443 = vector.shape_cast %get3A_442 : vector<1x16xf32> to vector<16xf32>
        %add3A_444 = arith.addf %add3A_372, %get3A_443 : vector<16xf32>
        %mul3A_445 = arith.constant 4 : i32
        %mul3A_446 = arith.muli %scan3A_257, %mul3A_445 : i32
        %add3A_447 = arith.constant 2 : i32
        %add3A_448 = arith.addi %mul3A_446, %add3A_447 : i32
        %get3A_449 = arith.index_cast %add3A_448 : i32 to index
        %get3A_450 = arith.constant 64 : index
        %get3A_451 = tpu.vector_load %arg9[%get3A_449, %get3A_450] {strides = array<i32>} : memref<72x128xf32, #tpu.memory_space<vmem>>, vector<1x16xf32>,
        %get3A_452 = vector.shape_cast %get3A_451 : vector<1x16xf32> to vector<16xf32>
        %add3A_453 = arith.addf %add3A_381, %get3A_452 : vector<16xf32>
        %mul3A_454 = arith.constant 4 : i32
        %mul3A_455 = arith.muli %scan3A_257, %mul3A_454 : i32
        %add3A_456 = arith.constant 2 : i32
        %add3A_457 = arith.addi %mul3A_455, %add3A_456 : i32
        %get3A_458 = arith.index_cast %add3A_457 : i32 to index
        %get3A_459 = arith.constant 80 : index
        %get3A_460 = tpu.vector_load %arg9[%get3A_458, %get3A_459] {strides = array<i32>} : memref<72x128xf32, #tpu.memory_space<vmem>>, vector<1x16xf32>,
        %get3A_461 = vector.shape_cast %get3A_460 : vector<1x16xf32> to vector<16xf32>
        %add3A_462 = arith.addf %add3A_390, %get3A_461 : vector<16xf32>
        %mul3A_463 = arith.constant 4 : i32
        %mul3A_464 = arith.muli %scan3A_257, %mul3A_463 : i32
        %add3A_465 = arith.constant 2 : i32
        %add3A_466 = arith.addi %mul3A_464, %add3A_465 : i32
        %get3A_467 = arith.index_cast %add3A_466 : i32 to index
        %get3A_468 = arith.constant 96 : index
        %get3A_469 = tpu.vector_load %arg9[%get3A_467, %get3A_468] {strides = array<i32>} : memref<72x128xf32, #tpu.memory_space<vmem>>, vector<1x16xf32>,
        %get3A_470 = vector.shape_cast %get3A_469 : vector<1x16xf32> to vector<16xf32>
        %add3A_471 = arith.addf %add3A_399, %get3A_470 : vector<16xf32>
        %mul3A_472 = arith.constant 4 : i32
        %mul3A_473 = arith.muli %scan3A_257, %mul3A_472 : i32
        %add3A_474 = arith.constant 2 : i32
        %add3A_475 = arith.addi %mul3A_473, %add3A_474 : i32
        %get3A_476 = arith.index_cast %add3A_475 : i32 to index
        %get3A_477 = arith.constant 112 : index
        %get3A_478 = tpu.vector_load %arg9[%get3A_476, %get3A_477] {strides = array<i32>} : memref<72x128xf32, #tpu.memory_space<vmem>>, vector<1x16xf32>,
        %get3A_479 = vector.shape_cast %get3A_478 : vector<1x16xf32> to vector<16xf32>
        %add3A_480 = arith.addf %add3A_408, %get3A_479 : vector<16xf32>
        %mul3A_481 = arith.constant 4 : i32
        %mul3A_482 = arith.muli %scan3A_257, %mul3A_481 : i32
        %add3A_483 = arith.constant 3 : i32
        %add3A_484 = arith.addi %mul3A_482, %add3A_483 : i32
        %get3A_485 = arith.index_cast %add3A_484 : i32 to index
        %get3A_486 = arith.constant 0 : index
        %get3A_487 = tpu.vector_load %arg9[%get3A_485, %get3A_486] {strides = array<i32>} : memref<72x128xf32, #tpu.memory_space<vmem>>, vector<1x16xf32>,
        %get3A_488 = vector.shape_cast %get3A_487 : vector<1x16xf32> to vector<16xf32>
        %add3A_489 = arith.addf %add3A_417, %get3A_488 : vector<16xf32>
        %mul3A_490 = arith.constant 4 : i32
        %mul3A_491 = arith.muli %scan3A_257, %mul3A_490 : i32
        %add3A_492 = arith.constant 3 : i32
        %add3A_493 = arith.addi %mul3A_491, %add3A_492 : i32
        %get3A_494 = arith.index_cast %add3A_493 : i32 to index
        %get3A_495 = arith.constant 16 : index
        %get3A_496 = tpu.vector_load %arg9[%get3A_494, %get3A_495] {strides = array<i32>} : memref<72x128xf32, #tpu.memory_space<vmem>>, vector<1x16xf32>,
        %get3A_497 = vector.shape_cast %get3A_496 : vector<1x16xf32> to vector<16xf32>
        %add3A_498 = arith.addf %add3A_426, %get3A_497 : vector<16xf32>
        %mul3A_499 = arith.constant 4 : i32
        %mul3A_500 = arith.muli %scan3A_257, %mul3A_499 : i32
        %add3A_501 = arith.constant 3 : i32
        %add3A_502 = arith.addi %mul3A_500, %add3A_501 : i32
        %get3A_503 = arith.index_cast %add3A_502 : i32 to index
        %get3A_504 = arith.constant 32 : index
        %get3A_505 = tpu.vector_load %arg9[%get3A_503, %get3A_504] {strides = array<i32>} : memref<72x128xf32, #tpu.memory_space<vmem>>, vector<1x16xf32>,
        %get3A_506 = vector.shape_cast %get3A_505 : vector<1x16xf32> to vector<16xf32>
        %add3A_507 = arith.addf %add3A_435, %get3A_506 : vector<16xf32>
        %mul3A_508 = arith.constant 4 : i32
        %mul3A_509 = arith.muli %scan3A_257, %mul3A_508 : i32
        %add3A_510 = arith.constant 3 : i32
        %add3A_511 = arith.addi %mul3A_509, %add3A_510 : i32
        %get3A_512 = arith.index_cast %add3A_511 : i32 to index
        %get3A_513 = arith.constant 48 : index
        %get3A_514 = tpu.vector_load %arg9[%get3A_512, %get3A_513] {strides = array<i32>} : memref<72x128xf32, #tpu.memory_space<vmem>>, vector<1x16xf32>,
        %get3A_515 = vector.shape_cast %get3A_514 : vector<1x16xf32> to vector<16xf32>
        %add3A_516 = arith.addf %add3A_444, %get3A_515 : vector<16xf32>
        %mul3A_517 = arith.constant 4 : i32
        %mul3A_518 = arith.muli %scan3A_257, %mul3A_517 : i32
        %add3A_519 = arith.constant 3 : i32
        %add3A_520 = arith.addi %mul3A_518, %add3A_519 : i32
        %get3A_521 = arith.index_cast %add3A_520 : i32 to index
        %get3A_522 = arith.constant 64 : index
        %get3A_523 = tpu.vector_load %arg9[%get3A_521, %get3A_522] {strides = array<i32>} : memref<72x128xf32, #tpu.memory_space<vmem>>, vector<1x16xf32>,
        %get3A_524 = vector.shape_cast %get3A_523 : vector<1x16xf32> to vector<16xf32>
        %add3A_525 = arith.addf %add3A_453, %get3A_524 : vector<16xf32>
        %mul3A_526 = arith.constant 4 : i32
        %mul3A_527 = arith.muli %scan3A_257, %mul3A_526 : i32
        %add3A_528 = arith.constant 3 : i32
        %add3A_529 = arith.addi %mul3A_527, %add3A_528 : i32
        %get3A_530 = arith.index_cast %add3A_529 : i32 to index
        %get3A_531 = arith.constant 80 : index
        %get3A_532 = tpu.vector_load %arg9[%get3A_530, %get3A_531] {strides = array<i32>} : memref<72x128xf32, #tpu.memory_space<vmem>>, vector<1x16xf32>,
        %get3A_533 = vector.shape_cast %get3A_532 : vector<1x16xf32> to vector<16xf32>
        %add3A_534 = arith.addf %add3A_462, %get3A_533 : vector<16xf32>
        %mul3A_535 = arith.constant 4 : i32
        %mul3A_536 = arith.muli %scan3A_257, %mul3A_535 : i32
        %add3A_537 = arith.constant 3 : i32
        %add3A_538 = arith.addi %mul3A_536, %add3A_537 : i32
        %get3A_539 = arith.index_cast %add3A_538 : i32 to index
        %get3A_540 = arith.constant 96 : index
        %get3A_541 = tpu.vector_load %arg9[%get3A_539, %get3A_540] {strides = array<i32>} : memref<72x128xf32, #tpu.memory_space<vmem>>, vector<1x16xf32>,
        %get3A_542 = vector.shape_cast %get3A_541 : vector<1x16xf32> to vector<16xf32>
        %add3A_543 = arith.addf %add3A_471, %get3A_542 : vector<16xf32>
        %mul3A_544 = arith.constant 4 : i32
        %mul3A_545 = arith.muli %scan3A_257, %mul3A_544 : i32
        %add3A_546 = arith.constant 3 : i32
        %add3A_547 = arith.addi %mul3A_545, %add3A_546 : i32
        %get3A_548 = arith.index_cast %add3A_547 : i32 to index
        %get3A_549 = arith.constant 112 : index
        %get3A_550 = tpu.vector_load %arg9[%get3A_548, %get3A_549] {strides = array<i32>} : memref<72x128xf32, #tpu.memory_space<vmem>>, vector<1x16xf32>,
        %get3A_551 = vector.shape_cast %get3A_550 : vector<1x16xf32> to vector<16xf32>
        %add3A_552 = arith.addf %add3A_480, %get3A_551 : vector<16xf32>
        scf.yield %add3A_489, %add3A_498, %add3A_507, %add3A_516, %add3A_525, %add3A_534, %add3A_543, %add3A_552 : vector<16xf32>, vector<16xf32>, vector<16xf32>, vector<16xf32>, vector<16xf32>, vector<16xf32>, vector<16xf32>, vector<16xf32>
      }
      %scan3A_85 = arith.constant 18 : i32
      %mul3A_86 = arith.constant 5.000000e-03 : f32
      %mul3A_87 = vector.broadcast %mul3A_86 : f32 to vector<16xf32>
      %mul3A_88 = arith.mulf %scan3A_84#0, %mul3A_87 : vector<16xf32>
      %swap3A = arith.index_cast %mul3A_30 : i32 to index
      %swap3A_89 = arith.constant 0 : index
      %swap3A_90 = tpu.vector_load %arg12[%swap3A, %swap3A_89] {strides = array<i32>} : memref<128x128xf32, #tpu.memory_space<vmem>>, vector<1x16xf32>,
      %swap3A_91 = vector.shape_cast %swap3A_90 : vector<1x16xf32> to vector<16xf32>
      %swap3A_92 = vector.shape_cast %mul3A_88 : vector<16xf32> to vector<1x16xf32>
      tpu.vector_store %arg12[%swap3A, %swap3A_89], %swap3A_92 {strides = array<i32>} : memref<128x128xf32, #tpu.memory_space<vmem>>, vector<1x16xf32>,
      %mul3A_93 = arith.constant 5.000000e-03 : f32
      %mul3A_94 = vector.broadcast %mul3A_93 : f32 to vector<16xf32>
      %mul3A_95 = arith.mulf %scan3A_84#1, %mul3A_94 : vector<16xf32>
      %swap3A_96 = arith.index_cast %mul3A_30 : i32 to index
      %swap3A_97 = arith.constant 16 : index
      %swap3A_98 = tpu.vector_load %arg12[%swap3A_96, %swap3A_97] {strides = array<i32>} : memref<128x128xf32, #tpu.memory_space<vmem>>, vector<1x16xf32>,
      %swap3A_99 = vector.shape_cast %swap3A_98 : vector<1x16xf32> to vector<16xf32>
      %swap3A_100 = vector.shape_cast %mul3A_95 : vector<16xf32> to vector<1x16xf32>
      tpu.vector_store %arg12[%swap3A_96, %swap3A_97], %swap3A_100 {strides = array<i32>} : memref<128x128xf32, #tpu.memory_space<vmem>>, vector<1x16xf32>,
      %mul3A_101 = arith.constant 5.000000e-03 : f32
      %mul3A_102 = vector.broadcast %mul3A_101 : f32 to vector<16xf32>
      %mul3A_103 = arith.mulf %scan3A_84#2, %mul3A_102 : vector<16xf32>
      %swap3A_104 = arith.index_cast %mul3A_30 : i32 to index
      %swap3A_105 = arith.constant 32 : index
      %swap3A_106 = tpu.vector_load %arg12[%swap3A_104, %swap3A_105] {strides = array<i32>} : memref<128x128xf32, #tpu.memory_space<vmem>>, vector<1x16xf32>,
      %swap3A_107 = vector.shape_cast %swap3A_106 : vector<1x16xf32> to vector<16xf32>
      %swap3A_108 = vector.shape_cast %mul3A_103 : vector<16xf32> to vector<1x16xf32>
      tpu.vector_store %arg12[%swap3A_104, %swap3A_105], %swap3A_108 {strides = array<i32>} : memref<128x128xf32, #tpu.memory_space<vmem>>, vector<1x16xf32>,
      %mul3A_109 = arith.constant 5.000000e-03 : f32
      %mul3A_110 = vector.broadcast %mul3A_109 : f32 to vector<16xf32>
      %mul3A_111 = arith.mulf %scan3A_84#3, %mul3A_110 : vector<16xf32>
      %swap3A_112 = arith.index_cast %mul3A_30 : i32 to index
      %swap3A_113 = arith.constant 48 : index
      %swap3A_114 = tpu.vector_load %arg12[%swap3A_112, %swap3A_113] {strides = array<i32>} : memref<128x128xf32, #tpu.memory_space<vmem>>, vector<1x16xf32>,
      %swap3A_115 = vector.shape_cast %swap3A_114 : vector<1x16xf32> to vector<16xf32>
      %swap3A_116 = vector.shape_cast %mul3A_111 : vector<16xf32> to vector<1x16xf32>
      tpu.vector_store %arg12[%swap3A_112, %swap3A_113], %swap3A_116 {strides = array<i32>} : memref<128x128xf32, #tpu.memory_space<vmem>>, vector<1x16xf32>,
      %mul3A_117 = arith.constant 5.000000e-03 : f32
      %mul3A_118 = vector.broadcast %mul3A_117 : f32 to vector<16xf32>
      %mul3A_119 = arith.mulf %scan3A_84#4, %mul3A_118 : vector<16xf32>
      %swap3A_120 = arith.index_cast %mul3A_30 : i32 to index
      %swap3A_121 = arith.constant 64 : index
      %swap3A_122 = tpu.vector_load %arg12[%swap3A_120, %swap3A_121] {strides = array<i32>} : memref<128x128xf32, #tpu.memory_space<vmem>>, vector<1x16xf32>,
      %swap3A_123 = vector.shape_cast %swap3A_122 : vector<1x16xf32> to vector<16xf32>
      %swap3A_124 = vector.shape_cast %mul3A_119 : vector<16xf32> to vector<1x16xf32>
      tpu.vector_store %arg12[%swap3A_120, %swap3A_121], %swap3A_124 {strides = array<i32>} : memref<128x128xf32, #tpu.memory_space<vmem>>, vector<1x16xf32>,
      %mul3A_125 = arith.constant 5.000000e-03 : f32
      %mul3A_126 = vector.broadcast %mul3A_125 : f32 to vector<16xf32>
      %mul3A_127 = arith.mulf %scan3A_84#5, %mul3A_126 : vector<16xf32>
      %swap3A_128 = arith.index_cast %mul3A_30 : i32 to index
      %swap3A_129 = arith.constant 80 : index
      %swap3A_130 = tpu.vector_load %arg12[%swap3A_128, %swap3A_129] {strides = array<i32>} : memref<128x128xf32, #tpu.memory_space<vmem>>, vector<1x16xf32>,
      %swap3A_131 = vector.shape_cast %swap3A_130 : vector<1x16xf32> to vector<16xf32>
      %swap3A_132 = vector.shape_cast %mul3A_127 : vector<16xf32> to vector<1x16xf32>
      tpu.vector_store %arg12[%swap3A_128, %swap3A_129], %swap3A_132 {strides = array<i32>} : memref<128x128xf32, #tpu.memory_space<vmem>>, vector<1x16xf32>,
      %mul3A_133 = arith.constant 5.000000e-03 : f32
      %mul3A_134 = vector.broadcast %mul3A_133 : f32 to vector<16xf32>
      %mul3A_135 = arith.mulf %scan3A_84#6, %mul3A_134 : vector<16xf32>
      %swap3A_136 = arith.index_cast %mul3A_30 : i32 to index
      %swap3A_137 = arith.constant 96 : index
      %swap3A_138 = tpu.vector_load %arg12[%swap3A_136, %swap3A_137] {strides = array<i32>} : memref<128x128xf32, #tpu.memory_space<vmem>>, vector<1x16xf32>,
      %swap3A_139 = vector.shape_cast %swap3A_138 : vector<1x16xf32> to vector<16xf32>
      %swap3A_140 = vector.shape_cast %mul3A_135 : vector<16xf32> to vector<1x16xf32>
      tpu.vector_store %arg12[%swap3A_136, %swap3A_137], %swap3A_140 {strides = array<i32>} : memref<128x128xf32, #tpu.memory_space<vmem>>, vector<1x16xf32>,
      %mul3A_141 = arith.constant 5.000000e-03 : f32
      %mul3A_142 = vector.broadcast %mul3A_141 : f32 to vector<16xf32>
      %mul3A_143 = arith.mulf %scan3A_84#7, %mul3A_142 : vector<16xf32>
      %swap3A_144 = arith.index_cast %mul3A_30 : i32 to index
      %swap3A_145 = arith.constant 112 : index
      %swap3A_146 = tpu.vector_load %arg12[%swap3A_144, %swap3A_145] {strides = array<i32>} : memref<128x128xf32, #tpu.memory_space<vmem>>, vector<1x16xf32>,
      %swap3A_147 = vector.shape_cast %swap3A_146 : vector<1x16xf32> to vector<16xf32>
      %swap3A_148 = vector.shape_cast %mul3A_143 : vector<16xf32> to vector<1x16xf32>
      tpu.vector_store %arg12[%swap3A_144, %swap3A_145], %swap3A_148 {strides = array<i32>} : memref<128x128xf32, #tpu.memory_space<vmem>>, vector<1x16xf32>,
      %add3A_149 = arith.constant 2 : i32
      %add3A_150 = arith.addi %mul3A_30, %add3A_149 : i32
      %lt3A = arith.constant 128 : i32
      %lt3A_151 = arith.cmpi slt, %add3A_150, %lt3A : i32
      %convert_element_type3A = arith.extui %lt3A_151 : i1 to i32
      %cond3A = arith.constant 0 : i32
      %cond3A_152 = arith.cmpi ne, %convert_element_type3A, %cond3A : i32
      scf.if %cond3A_152 {
        %add3A_257 = arith.constant 2 : i32
        %add3A_258 = arith.addi %mul3A_30, %add3A_257 : i32
        %mul3A_259 = arith.constant 200 : i32
        %mul3A_260 = arith.muli %add3A_258, %mul3A_259 : i32
        %multiple_of3A_261 = tpu.assume_multiple %mul3A_260, 8 : i32
        %mul3A_262 = arith.constant 200 : i32
        %mul3A_263 = arith.muli %add3A_258, %mul3A_262 : i32
        %add3A_264 = arith.constant 128 : i32
        %add3A_265 = arith.addi %mul3A_263, %add3A_264 : i32
        %multiple_of3A_266 = tpu.assume_multiple %add3A_265, 8 : i32
        %dma_start3A_267 = tpu.memref_slice %arg7[%multiple_of3A_261] : memref<25600xi32, #tpu.memory_space<vmem>> -> memref<128xi32, #tpu.memory_space<vmem>>
        %dma_start3A_268 = arith.constant 0 : i32
        %dma_start3A_269 = arith.constant 0 : i32
        %dma_start3A_270 = tpu.memref_slice %arg2[%dma_start3A_268, %dma_start3A_269] : memref<100001x128xf32, #tpu.memory_space<hbm>> -> memref<100001x128xf32, #tpu.memory_space<hbm>>
        tpu.enqueue_indirect_dma source(%dma_start3A_270 : memref<100001x128xf32, #tpu.memory_space<hbm>>) target(%arg8 : memref<128x128xf32, #tpu.memory_space<vmem>>) offsets(%dma_start3A_267 : memref<128xi32, #tpu.memory_space<vmem>>) semaphore(%arg15 : memref<!tpu.dma_semaphore, #tpu.memory_space<semaphore_mem>>)
        %dma_start3A_271 = tpu.memref_slice %arg7[%multiple_of3A_266] : memref<25600xi32, #tpu.memory_space<vmem>> -> memref<72xi32, #tpu.memory_space<vmem>>
        %dma_start3A_272 = arith.constant 0 : i32
        %dma_start3A_273 = arith.constant 0 : i32
        %dma_start3A_274 = tpu.memref_slice %arg2[%dma_start3A_272, %dma_start3A_273] : memref<100001x128xf32, #tpu.memory_space<hbm>> -> memref<100001x128xf32, #tpu.memory_space<hbm>>
        tpu.enqueue_indirect_dma source(%dma_start3A_274 : memref<100001x128xf32, #tpu.memory_space<hbm>>) target(%arg9 : memref<72x128xf32, #tpu.memory_space<vmem>>) offsets(%dma_start3A_271 : memref<72xi32, #tpu.memory_space<vmem>>) semaphore(%arg15 : memref<!tpu.dma_semaphore, #tpu.memory_space<semaphore_mem>>)
      } else {
      }
      %dma_wait3A_153 = arith.constant 0 : i32
      %dma_wait3A_154 = tpu.memref_slice %arg7[%dma_wait3A_153] : memref<25600xi32, #tpu.memory_space<vmem>> -> memref<128xi32, #tpu.memory_space<vmem>>
      %dma_wait3A_155 = arith.constant 0 : i32
      %dma_wait3A_156 = arith.constant 0 : i32
      %dma_wait3A_157 = tpu.memref_slice %arg2[%dma_wait3A_155, %dma_wait3A_156] : memref<100001x128xf32, #tpu.memory_space<hbm>> -> memref<100001x128xf32, #tpu.memory_space<hbm>>
      tpu.wait_indirect_dma semaphore(%arg16 : memref<!tpu.dma_semaphore, #tpu.memory_space<semaphore_mem>>) src(%dma_wait3A_157 : memref<100001x128xf32, #tpu.memory_space<hbm>>) dst(%arg10 : memref<128x128xf32, #tpu.memory_space<vmem>>)
      %dma_wait3A_158 = arith.constant 0 : i32
      %dma_wait3A_159 = tpu.memref_slice %arg7[%dma_wait3A_158] : memref<25600xi32, #tpu.memory_space<vmem>> -> memref<72xi32, #tpu.memory_space<vmem>>
      %dma_wait3A_160 = arith.constant 0 : i32
      %dma_wait3A_161 = arith.constant 0 : i32
      %dma_wait3A_162 = tpu.memref_slice %arg2[%dma_wait3A_160, %dma_wait3A_161] : memref<100001x128xf32, #tpu.memory_space<hbm>> -> memref<100001x128xf32, #tpu.memory_space<hbm>>
      tpu.wait_indirect_dma semaphore(%arg16 : memref<!tpu.dma_semaphore, #tpu.memory_space<semaphore_mem>>) src(%dma_wait3A_162 : memref<100001x128xf32, #tpu.memory_space<hbm>>) dst(%arg11 : memref<72x128xf32, #tpu.memory_space<vmem>>)
      %add3A_163 = arith.constant 1 : i32
      %add3A_164 = arith.addi %mul3A_30, %add3A_163 : i32
      %broadcast_in_dim3A_165 = arith.constant 0.000000e+00 : f32
      %broadcast_in_dim3A_166 = vector.broadcast %broadcast_in_dim3A_165 : f32 to vector<16xf32>
      %broadcast_in_dim3A_167 = arith.constant 0.000000e+00 : f32
      %broadcast_in_dim3A_168 = vector.broadcast %broadcast_in_dim3A_167 : f32 to vector<16xf32>
      %broadcast_in_dim3A_169 = arith.constant 0.000000e+00 : f32
      %broadcast_in_dim3A_170 = vector.broadcast %broadcast_in_dim3A_169 : f32 to vector<16xf32>
      %broadcast_in_dim3A_171 = arith.constant 0.000000e+00 : f32
      %broadcast_in_dim3A_172 = vector.broadcast %broadcast_in_dim3A_171 : f32 to vector<16xf32>
      %broadcast_in_dim3A_173 = arith.constant 0.000000e+00 : f32
      %broadcast_in_dim3A_174 = vector.broadcast %broadcast_in_dim3A_173 : f32 to vector<16xf32>
      %broadcast_in_dim3A_175 = arith.constant 0.000000e+00 : f32
      %broadcast_in_dim3A_176 = vector.broadcast %broadcast_in_dim3A_175 : f32 to vector<16xf32>
      %broadcast_in_dim3A_177 = arith.constant 0.000000e+00 : f32
      %broadcast_in_dim3A_178 = vector.broadcast %broadcast_in_dim3A_177 : f32 to vector<16xf32>
      %broadcast_in_dim3A_179 = arith.constant 0.000000e+00 : f32
      %broadcast_in_dim3A_180 = vector.broadcast %broadcast_in_dim3A_179 : f32 to vector<16xf32>
      %scan3A_181 = arith.constant 0 : i32
      %scan3A_182 = arith.constant 32 : i32
      %scan3A_183 = arith.addi %scan3A_181, %scan3A_182 : i32
      %scan3A_184 = arith.constant 1 : i32
      %scan3A_185:8 = scf.for %scan3A_257 = %scan3A_181 to %scan3A_183 step %scan3A_184 iter_args(%scan3A_258 = %broadcast_in_dim3A_166, %scan3A_259 = %broadcast_in_dim3A_168, %scan3A_260 = %broadcast_in_dim3A_170, %scan3A_261 = %broadcast_in_dim3A_172, %scan3A_262 = %broadcast_in_dim3A_174, %scan3A_263 = %broadcast_in_dim3A_176, %scan3A_264 = %broadcast_in_dim3A_178, %scan3A_265 = %broadcast_in_dim3A_180) -> (vector<16xf32>, vector<16xf32>, vector<16xf32>, vector<16xf32>, vector<16xf32>, vector<16xf32>, vector<16xf32>, vector<16xf32>)  : i32 {
        %mul3A_266 = arith.constant 4 : i32
        %mul3A_267 = arith.muli %scan3A_257, %mul3A_266 : i32
        %add3A_268 = arith.constant 0 : i32
        %add3A_269 = arith.addi %mul3A_267, %add3A_268 : i32
        %get3A = arith.index_cast %add3A_269 : i32 to index
        %get3A_270 = arith.constant 0 : index
        %get3A_271 = tpu.vector_load %arg10[%get3A, %get3A_270] {strides = array<i32>} : memref<128x128xf32, #tpu.memory_space<vmem>>, vector<1x16xf32>,
        %get3A_272 = vector.shape_cast %get3A_271 : vector<1x16xf32> to vector<16xf32>
        %add3A_273 = arith.addf %scan3A_258, %get3A_272 : vector<16xf32>
        %mul3A_274 = arith.constant 4 : i32
        %mul3A_275 = arith.muli %scan3A_257, %mul3A_274 : i32
        %add3A_276 = arith.constant 0 : i32
        %add3A_277 = arith.addi %mul3A_275, %add3A_276 : i32
        %get3A_278 = arith.index_cast %add3A_277 : i32 to index
        %get3A_279 = arith.constant 16 : index
        %get3A_280 = tpu.vector_load %arg10[%get3A_278, %get3A_279] {strides = array<i32>} : memref<128x128xf32, #tpu.memory_space<vmem>>, vector<1x16xf32>,
        %get3A_281 = vector.shape_cast %get3A_280 : vector<1x16xf32> to vector<16xf32>
        %add3A_282 = arith.addf %scan3A_259, %get3A_281 : vector<16xf32>
        %mul3A_283 = arith.constant 4 : i32
        %mul3A_284 = arith.muli %scan3A_257, %mul3A_283 : i32
        %add3A_285 = arith.constant 0 : i32
        %add3A_286 = arith.addi %mul3A_284, %add3A_285 : i32
        %get3A_287 = arith.index_cast %add3A_286 : i32 to index
        %get3A_288 = arith.constant 32 : index
        %get3A_289 = tpu.vector_load %arg10[%get3A_287, %get3A_288] {strides = array<i32>} : memref<128x128xf32, #tpu.memory_space<vmem>>, vector<1x16xf32>,
        %get3A_290 = vector.shape_cast %get3A_289 : vector<1x16xf32> to vector<16xf32>
        %add3A_291 = arith.addf %scan3A_260, %get3A_290 : vector<16xf32>
        %mul3A_292 = arith.constant 4 : i32
        %mul3A_293 = arith.muli %scan3A_257, %mul3A_292 : i32
        %add3A_294 = arith.constant 0 : i32
        %add3A_295 = arith.addi %mul3A_293, %add3A_294 : i32
        %get3A_296 = arith.index_cast %add3A_295 : i32 to index
        %get3A_297 = arith.constant 48 : index
        %get3A_298 = tpu.vector_load %arg10[%get3A_296, %get3A_297] {strides = array<i32>} : memref<128x128xf32, #tpu.memory_space<vmem>>, vector<1x16xf32>,
        %get3A_299 = vector.shape_cast %get3A_298 : vector<1x16xf32> to vector<16xf32>
        %add3A_300 = arith.addf %scan3A_261, %get3A_299 : vector<16xf32>
        %mul3A_301 = arith.constant 4 : i32
        %mul3A_302 = arith.muli %scan3A_257, %mul3A_301 : i32
        %add3A_303 = arith.constant 0 : i32
        %add3A_304 = arith.addi %mul3A_302, %add3A_303 : i32
        %get3A_305 = arith.index_cast %add3A_304 : i32 to index
        %get3A_306 = arith.constant 64 : index
        %get3A_307 = tpu.vector_load %arg10[%get3A_305, %get3A_306] {strides = array<i32>} : memref<128x128xf32, #tpu.memory_space<vmem>>, vector<1x16xf32>,
        %get3A_308 = vector.shape_cast %get3A_307 : vector<1x16xf32> to vector<16xf32>
        %add3A_309 = arith.addf %scan3A_262, %get3A_308 : vector<16xf32>
        %mul3A_310 = arith.constant 4 : i32
        %mul3A_311 = arith.muli %scan3A_257, %mul3A_310 : i32
        %add3A_312 = arith.constant 0 : i32
        %add3A_313 = arith.addi %mul3A_311, %add3A_312 : i32
        %get3A_314 = arith.index_cast %add3A_313 : i32 to index
        %get3A_315 = arith.constant 80 : index
        %get3A_316 = tpu.vector_load %arg10[%get3A_314, %get3A_315] {strides = array<i32>} : memref<128x128xf32, #tpu.memory_space<vmem>>, vector<1x16xf32>,
        %get3A_317 = vector.shape_cast %get3A_316 : vector<1x16xf32> to vector<16xf32>
        %add3A_318 = arith.addf %scan3A_263, %get3A_317 : vector<16xf32>
        %mul3A_319 = arith.constant 4 : i32
        %mul3A_320 = arith.muli %scan3A_257, %mul3A_319 : i32
        %add3A_321 = arith.constant 0 : i32
        %add3A_322 = arith.addi %mul3A_320, %add3A_321 : i32
        %get3A_323 = arith.index_cast %add3A_322 : i32 to index
        %get3A_324 = arith.constant 96 : index
        %get3A_325 = tpu.vector_load %arg10[%get3A_323, %get3A_324] {strides = array<i32>} : memref<128x128xf32, #tpu.memory_space<vmem>>, vector<1x16xf32>,
        %get3A_326 = vector.shape_cast %get3A_325 : vector<1x16xf32> to vector<16xf32>
        %add3A_327 = arith.addf %scan3A_264, %get3A_326 : vector<16xf32>
        %mul3A_328 = arith.constant 4 : i32
        %mul3A_329 = arith.muli %scan3A_257, %mul3A_328 : i32
        %add3A_330 = arith.constant 0 : i32
        %add3A_331 = arith.addi %mul3A_329, %add3A_330 : i32
        %get3A_332 = arith.index_cast %add3A_331 : i32 to index
        %get3A_333 = arith.constant 112 : index
        %get3A_334 = tpu.vector_load %arg10[%get3A_332, %get3A_333] {strides = array<i32>} : memref<128x128xf32, #tpu.memory_space<vmem>>, vector<1x16xf32>,
        %get3A_335 = vector.shape_cast %get3A_334 : vector<1x16xf32> to vector<16xf32>
        %add3A_336 = arith.addf %scan3A_265, %get3A_335 : vector<16xf32>
        %mul3A_337 = arith.constant 4 : i32
        %mul3A_338 = arith.muli %scan3A_257, %mul3A_337 : i32
        %add3A_339 = arith.constant 1 : i32
        %add3A_340 = arith.addi %mul3A_338, %add3A_339 : i32
        %get3A_341 = arith.index_cast %add3A_340 : i32 to index
        %get3A_342 = arith.constant 0 : index
        %get3A_343 = tpu.vector_load %arg10[%get3A_341, %get3A_342] {strides = array<i32>} : memref<128x128xf32, #tpu.memory_space<vmem>>, vector<1x16xf32>,
        %get3A_344 = vector.shape_cast %get3A_343 : vector<1x16xf32> to vector<16xf32>
        %add3A_345 = arith.addf %add3A_273, %get3A_344 : vector<16xf32>
        %mul3A_346 = arith.constant 4 : i32
        %mul3A_347 = arith.muli %scan3A_257, %mul3A_346 : i32
        %add3A_348 = arith.constant 1 : i32
        %add3A_349 = arith.addi %mul3A_347, %add3A_348 : i32
        %get3A_350 = arith.index_cast %add3A_349 : i32 to index
        %get3A_351 = arith.constant 16 : index
        %get3A_352 = tpu.vector_load %arg10[%get3A_350, %get3A_351] {strides = array<i32>} : memref<128x128xf32, #tpu.memory_space<vmem>>, vector<1x16xf32>,
        %get3A_353 = vector.shape_cast %get3A_352 : vector<1x16xf32> to vector<16xf32>
        %add3A_354 = arith.addf %add3A_282, %get3A_353 : vector<16xf32>
        %mul3A_355 = arith.constant 4 : i32
        %mul3A_356 = arith.muli %scan3A_257, %mul3A_355 : i32
        %add3A_357 = arith.constant 1 : i32
        %add3A_358 = arith.addi %mul3A_356, %add3A_357 : i32
        %get3A_359 = arith.index_cast %add3A_358 : i32 to index
        %get3A_360 = arith.constant 32 : index
        %get3A_361 = tpu.vector_load %arg10[%get3A_359, %get3A_360] {strides = array<i32>} : memref<128x128xf32, #tpu.memory_space<vmem>>, vector<1x16xf32>,
        %get3A_362 = vector.shape_cast %get3A_361 : vector<1x16xf32> to vector<16xf32>
        %add3A_363 = arith.addf %add3A_291, %get3A_362 : vector<16xf32>
        %mul3A_364 = arith.constant 4 : i32
        %mul3A_365 = arith.muli %scan3A_257, %mul3A_364 : i32
        %add3A_366 = arith.constant 1 : i32
        %add3A_367 = arith.addi %mul3A_365, %add3A_366 : i32
        %get3A_368 = arith.index_cast %add3A_367 : i32 to index
        %get3A_369 = arith.constant 48 : index
        %get3A_370 = tpu.vector_load %arg10[%get3A_368, %get3A_369] {strides = array<i32>} : memref<128x128xf32, #tpu.memory_space<vmem>>, vector<1x16xf32>,
        %get3A_371 = vector.shape_cast %get3A_370 : vector<1x16xf32> to vector<16xf32>
        %add3A_372 = arith.addf %add3A_300, %get3A_371 : vector<16xf32>
        %mul3A_373 = arith.constant 4 : i32
        %mul3A_374 = arith.muli %scan3A_257, %mul3A_373 : i32
        %add3A_375 = arith.constant 1 : i32
        %add3A_376 = arith.addi %mul3A_374, %add3A_375 : i32
        %get3A_377 = arith.index_cast %add3A_376 : i32 to index
        %get3A_378 = arith.constant 64 : index
        %get3A_379 = tpu.vector_load %arg10[%get3A_377, %get3A_378] {strides = array<i32>} : memref<128x128xf32, #tpu.memory_space<vmem>>, vector<1x16xf32>,
        %get3A_380 = vector.shape_cast %get3A_379 : vector<1x16xf32> to vector<16xf32>
        %add3A_381 = arith.addf %add3A_309, %get3A_380 : vector<16xf32>
        %mul3A_382 = arith.constant 4 : i32
        %mul3A_383 = arith.muli %scan3A_257, %mul3A_382 : i32
        %add3A_384 = arith.constant 1 : i32
        %add3A_385 = arith.addi %mul3A_383, %add3A_384 : i32
        %get3A_386 = arith.index_cast %add3A_385 : i32 to index
        %get3A_387 = arith.constant 80 : index
        %get3A_388 = tpu.vector_load %arg10[%get3A_386, %get3A_387] {strides = array<i32>} : memref<128x128xf32, #tpu.memory_space<vmem>>, vector<1x16xf32>,
        %get3A_389 = vector.shape_cast %get3A_388 : vector<1x16xf32> to vector<16xf32>
        %add3A_390 = arith.addf %add3A_318, %get3A_389 : vector<16xf32>
        %mul3A_391 = arith.constant 4 : i32
        %mul3A_392 = arith.muli %scan3A_257, %mul3A_391 : i32
        %add3A_393 = arith.constant 1 : i32
        %add3A_394 = arith.addi %mul3A_392, %add3A_393 : i32
        %get3A_395 = arith.index_cast %add3A_394 : i32 to index
        %get3A_396 = arith.constant 96 : index
        %get3A_397 = tpu.vector_load %arg10[%get3A_395, %get3A_396] {strides = array<i32>} : memref<128x128xf32, #tpu.memory_space<vmem>>, vector<1x16xf32>,
        %get3A_398 = vector.shape_cast %get3A_397 : vector<1x16xf32> to vector<16xf32>
        %add3A_399 = arith.addf %add3A_327, %get3A_398 : vector<16xf32>
        %mul3A_400 = arith.constant 4 : i32
        %mul3A_401 = arith.muli %scan3A_257, %mul3A_400 : i32
        %add3A_402 = arith.constant 1 : i32
        %add3A_403 = arith.addi %mul3A_401, %add3A_402 : i32
        %get3A_404 = arith.index_cast %add3A_403 : i32 to index
        %get3A_405 = arith.constant 112 : index
        %get3A_406 = tpu.vector_load %arg10[%get3A_404, %get3A_405] {strides = array<i32>} : memref<128x128xf32, #tpu.memory_space<vmem>>, vector<1x16xf32>,
        %get3A_407 = vector.shape_cast %get3A_406 : vector<1x16xf32> to vector<16xf32>
        %add3A_408 = arith.addf %add3A_336, %get3A_407 : vector<16xf32>
        %mul3A_409 = arith.constant 4 : i32
        %mul3A_410 = arith.muli %scan3A_257, %mul3A_409 : i32
        %add3A_411 = arith.constant 2 : i32
        %add3A_412 = arith.addi %mul3A_410, %add3A_411 : i32
        %get3A_413 = arith.index_cast %add3A_412 : i32 to index
        %get3A_414 = arith.constant 0 : index
        %get3A_415 = tpu.vector_load %arg10[%get3A_413, %get3A_414] {strides = array<i32>} : memref<128x128xf32, #tpu.memory_space<vmem>>, vector<1x16xf32>,
        %get3A_416 = vector.shape_cast %get3A_415 : vector<1x16xf32> to vector<16xf32>
        %add3A_417 = arith.addf %add3A_345, %get3A_416 : vector<16xf32>
        %mul3A_418 = arith.constant 4 : i32
        %mul3A_419 = arith.muli %scan3A_257, %mul3A_418 : i32
        %add3A_420 = arith.constant 2 : i32
        %add3A_421 = arith.addi %mul3A_419, %add3A_420 : i32
        %get3A_422 = arith.index_cast %add3A_421 : i32 to index
        %get3A_423 = arith.constant 16 : index
        %get3A_424 = tpu.vector_load %arg10[%get3A_422, %get3A_423] {strides = array<i32>} : memref<128x128xf32, #tpu.memory_space<vmem>>, vector<1x16xf32>,
        %get3A_425 = vector.shape_cast %get3A_424 : vector<1x16xf32> to vector<16xf32>
        %add3A_426 = arith.addf %add3A_354, %get3A_425 : vector<16xf32>
        %mul3A_427 = arith.constant 4 : i32
        %mul3A_428 = arith.muli %scan3A_257, %mul3A_427 : i32
        %add3A_429 = arith.constant 2 : i32
        %add3A_430 = arith.addi %mul3A_428, %add3A_429 : i32
        %get3A_431 = arith.index_cast %add3A_430 : i32 to index
        %get3A_432 = arith.constant 32 : index
        %get3A_433 = tpu.vector_load %arg10[%get3A_431, %get3A_432] {strides = array<i32>} : memref<128x128xf32, #tpu.memory_space<vmem>>, vector<1x16xf32>,
        %get3A_434 = vector.shape_cast %get3A_433 : vector<1x16xf32> to vector<16xf32>
        %add3A_435 = arith.addf %add3A_363, %get3A_434 : vector<16xf32>
        %mul3A_436 = arith.constant 4 : i32
        %mul3A_437 = arith.muli %scan3A_257, %mul3A_436 : i32
        %add3A_438 = arith.constant 2 : i32
        %add3A_439 = arith.addi %mul3A_437, %add3A_438 : i32
        %get3A_440 = arith.index_cast %add3A_439 : i32 to index
        %get3A_441 = arith.constant 48 : index
        %get3A_442 = tpu.vector_load %arg10[%get3A_440, %get3A_441] {strides = array<i32>} : memref<128x128xf32, #tpu.memory_space<vmem>>, vector<1x16xf32>,
        %get3A_443 = vector.shape_cast %get3A_442 : vector<1x16xf32> to vector<16xf32>
        %add3A_444 = arith.addf %add3A_372, %get3A_443 : vector<16xf32>
        %mul3A_445 = arith.constant 4 : i32
        %mul3A_446 = arith.muli %scan3A_257, %mul3A_445 : i32
        %add3A_447 = arith.constant 2 : i32
        %add3A_448 = arith.addi %mul3A_446, %add3A_447 : i32
        %get3A_449 = arith.index_cast %add3A_448 : i32 to index
        %get3A_450 = arith.constant 64 : index
        %get3A_451 = tpu.vector_load %arg10[%get3A_449, %get3A_450] {strides = array<i32>} : memref<128x128xf32, #tpu.memory_space<vmem>>, vector<1x16xf32>,
        %get3A_452 = vector.shape_cast %get3A_451 : vector<1x16xf32> to vector<16xf32>
        %add3A_453 = arith.addf %add3A_381, %get3A_452 : vector<16xf32>
        %mul3A_454 = arith.constant 4 : i32
        %mul3A_455 = arith.muli %scan3A_257, %mul3A_454 : i32
        %add3A_456 = arith.constant 2 : i32
        %add3A_457 = arith.addi %mul3A_455, %add3A_456 : i32
        %get3A_458 = arith.index_cast %add3A_457 : i32 to index
        %get3A_459 = arith.constant 80 : index
        %get3A_460 = tpu.vector_load %arg10[%get3A_458, %get3A_459] {strides = array<i32>} : memref<128x128xf32, #tpu.memory_space<vmem>>, vector<1x16xf32>,
        %get3A_461 = vector.shape_cast %get3A_460 : vector<1x16xf32> to vector<16xf32>
        %add3A_462 = arith.addf %add3A_390, %get3A_461 : vector<16xf32>
        %mul3A_463 = arith.constant 4 : i32
        %mul3A_464 = arith.muli %scan3A_257, %mul3A_463 : i32
        %add3A_465 = arith.constant 2 : i32
        %add3A_466 = arith.addi %mul3A_464, %add3A_465 : i32
        %get3A_467 = arith.index_cast %add3A_466 : i32 to index
        %get3A_468 = arith.constant 96 : index
        %get3A_469 = tpu.vector_load %arg10[%get3A_467, %get3A_468] {strides = array<i32>} : memref<128x128xf32, #tpu.memory_space<vmem>>, vector<1x16xf32>,
        %get3A_470 = vector.shape_cast %get3A_469 : vector<1x16xf32> to vector<16xf32>
        %add3A_471 = arith.addf %add3A_399, %get3A_470 : vector<16xf32>
        %mul3A_472 = arith.constant 4 : i32
        %mul3A_473 = arith.muli %scan3A_257, %mul3A_472 : i32
        %add3A_474 = arith.constant 2 : i32
        %add3A_475 = arith.addi %mul3A_473, %add3A_474 : i32
        %get3A_476 = arith.index_cast %add3A_475 : i32 to index
        %get3A_477 = arith.constant 112 : index
        %get3A_478 = tpu.vector_load %arg10[%get3A_476, %get3A_477] {strides = array<i32>} : memref<128x128xf32, #tpu.memory_space<vmem>>, vector<1x16xf32>,
        %get3A_479 = vector.shape_cast %get3A_478 : vector<1x16xf32> to vector<16xf32>
        %add3A_480 = arith.addf %add3A_408, %get3A_479 : vector<16xf32>
        %mul3A_481 = arith.constant 4 : i32
        %mul3A_482 = arith.muli %scan3A_257, %mul3A_481 : i32
        %add3A_483 = arith.constant 3 : i32
        %add3A_484 = arith.addi %mul3A_482, %add3A_483 : i32
        %get3A_485 = arith.index_cast %add3A_484 : i32 to index
        %get3A_486 = arith.constant 0 : index
        %get3A_487 = tpu.vector_load %arg10[%get3A_485, %get3A_486] {strides = array<i32>} : memref<128x128xf32, #tpu.memory_space<vmem>>, vector<1x16xf32>,
        %get3A_488 = vector.shape_cast %get3A_487 : vector<1x16xf32> to vector<16xf32>
        %add3A_489 = arith.addf %add3A_417, %get3A_488 : vector<16xf32>
        %mul3A_490 = arith.constant 4 : i32
        %mul3A_491 = arith.muli %scan3A_257, %mul3A_490 : i32
        %add3A_492 = arith.constant 3 : i32
        %add3A_493 = arith.addi %mul3A_491, %add3A_492 : i32
        %get3A_494 = arith.index_cast %add3A_493 : i32 to index
        %get3A_495 = arith.constant 16 : index
        %get3A_496 = tpu.vector_load %arg10[%get3A_494, %get3A_495] {strides = array<i32>} : memref<128x128xf32, #tpu.memory_space<vmem>>, vector<1x16xf32>,
        %get3A_497 = vector.shape_cast %get3A_496 : vector<1x16xf32> to vector<16xf32>
        %add3A_498 = arith.addf %add3A_426, %get3A_497 : vector<16xf32>
        %mul3A_499 = arith.constant 4 : i32
        %mul3A_500 = arith.muli %scan3A_257, %mul3A_499 : i32
        %add3A_501 = arith.constant 3 : i32
        %add3A_502 = arith.addi %mul3A_500, %add3A_501 : i32
        %get3A_503 = arith.index_cast %add3A_502 : i32 to index
        %get3A_504 = arith.constant 32 : index
        %get3A_505 = tpu.vector_load %arg10[%get3A_503, %get3A_504] {strides = array<i32>} : memref<128x128xf32, #tpu.memory_space<vmem>>, vector<1x16xf32>,
        %get3A_506 = vector.shape_cast %get3A_505 : vector<1x16xf32> to vector<16xf32>
        %add3A_507 = arith.addf %add3A_435, %get3A_506 : vector<16xf32>
        %mul3A_508 = arith.constant 4 : i32
        %mul3A_509 = arith.muli %scan3A_257, %mul3A_508 : i32
        %add3A_510 = arith.constant 3 : i32
        %add3A_511 = arith.addi %mul3A_509, %add3A_510 : i32
        %get3A_512 = arith.index_cast %add3A_511 : i32 to index
        %get3A_513 = arith.constant 48 : index
        %get3A_514 = tpu.vector_load %arg10[%get3A_512, %get3A_513] {strides = array<i32>} : memref<128x128xf32, #tpu.memory_space<vmem>>, vector<1x16xf32>,
        %get3A_515 = vector.shape_cast %get3A_514 : vector<1x16xf32> to vector<16xf32>
        %add3A_516 = arith.addf %add3A_444, %get3A_515 : vector<16xf32>
        %mul3A_517 = arith.constant 4 : i32
        %mul3A_518 = arith.muli %scan3A_257, %mul3A_517 : i32
        %add3A_519 = arith.constant 3 : i32
        %add3A_520 = arith.addi %mul3A_518, %add3A_519 : i32
        %get3A_521 = arith.index_cast %add3A_520 : i32 to index
        %get3A_522 = arith.constant 64 : index
        %get3A_523 = tpu.vector_load %arg10[%get3A_521, %get3A_522] {strides = array<i32>} : memref<128x128xf32, #tpu.memory_space<vmem>>, vector<1x16xf32>,
        %get3A_524 = vector.shape_cast %get3A_523 : vector<1x16xf32> to vector<16xf32>
        %add3A_525 = arith.addf %add3A_453, %get3A_524 : vector<16xf32>
        %mul3A_526 = arith.constant 4 : i32
        %mul3A_527 = arith.muli %scan3A_257, %mul3A_526 : i32
        %add3A_528 = arith.constant 3 : i32
        %add3A_529 = arith.addi %mul3A_527, %add3A_528 : i32
        %get3A_530 = arith.index_cast %add3A_529 : i32 to index
        %get3A_531 = arith.constant 80 : index
        %get3A_532 = tpu.vector_load %arg10[%get3A_530, %get3A_531] {strides = array<i32>} : memref<128x128xf32, #tpu.memory_space<vmem>>, vector<1x16xf32>,
        %get3A_533 = vector.shape_cast %get3A_532 : vector<1x16xf32> to vector<16xf32>
        %add3A_534 = arith.addf %add3A_462, %get3A_533 : vector<16xf32>
        %mul3A_535 = arith.constant 4 : i32
        %mul3A_536 = arith.muli %scan3A_257, %mul3A_535 : i32
        %add3A_537 = arith.constant 3 : i32
        %add3A_538 = arith.addi %mul3A_536, %add3A_537 : i32
        %get3A_539 = arith.index_cast %add3A_538 : i32 to index
        %get3A_540 = arith.constant 96 : index
        %get3A_541 = tpu.vector_load %arg10[%get3A_539, %get3A_540] {strides = array<i32>} : memref<128x128xf32, #tpu.memory_space<vmem>>, vector<1x16xf32>,
        %get3A_542 = vector.shape_cast %get3A_541 : vector<1x16xf32> to vector<16xf32>
        %add3A_543 = arith.addf %add3A_471, %get3A_542 : vector<16xf32>
        %mul3A_544 = arith.constant 4 : i32
        %mul3A_545 = arith.muli %scan3A_257, %mul3A_544 : i32
        %add3A_546 = arith.constant 3 : i32
        %add3A_547 = arith.addi %mul3A_545, %add3A_546 : i32
        %get3A_548 = arith.index_cast %add3A_547 : i32 to index
        %get3A_549 = arith.constant 112 : index
        %get3A_550 = tpu.vector_load %arg10[%get3A_548, %get3A_549] {strides = array<i32>} : memref<128x128xf32, #tpu.memory_space<vmem>>, vector<1x16xf32>,
        %get3A_551 = vector.shape_cast %get3A_550 : vector<1x16xf32> to vector<16xf32>
        %add3A_552 = arith.addf %add3A_480, %get3A_551 : vector<16xf32>
        scf.yield %add3A_489, %add3A_498, %add3A_507, %add3A_516, %add3A_525, %add3A_534, %add3A_543, %add3A_552 : vector<16xf32>, vector<16xf32>, vector<16xf32>, vector<16xf32>, vector<16xf32>, vector<16xf32>, vector<16xf32>, vector<16xf32>
      }
      %scan3A_186 = arith.constant 32 : i32
      %scan3A_187 = arith.constant 0 : i32
      %scan3A_188 = arith.constant 18 : i32
      %scan3A_189 = arith.addi %scan3A_187, %scan3A_188 : i32
      %scan3A_190 = arith.constant 1 : i32
      %scan3A_191:8 = scf.for %scan3A_257 = %scan3A_187 to %scan3A_189 step %scan3A_190 iter_args(%scan3A_258 = %scan3A_185#0, %scan3A_259 = %scan3A_185#1, %scan3A_260 = %scan3A_185#2, %scan3A_261 = %scan3A_185#3, %scan3A_262 = %scan3A_185#4, %scan3A_263 = %scan3A_185#5, %scan3A_264 = %scan3A_185#6, %scan3A_265 = %scan3A_185#7) -> (vector<16xf32>, vector<16xf32>, vector<16xf32>, vector<16xf32>, vector<16xf32>, vector<16xf32>, vector<16xf32>, vector<16xf32>)  : i32 {
        %mul3A_266 = arith.constant 4 : i32
        %mul3A_267 = arith.muli %scan3A_257, %mul3A_266 : i32
        %add3A_268 = arith.constant 0 : i32
        %add3A_269 = arith.addi %mul3A_267, %add3A_268 : i32
        %get3A = arith.index_cast %add3A_269 : i32 to index
        %get3A_270 = arith.constant 0 : index
        %get3A_271 = tpu.vector_load %arg11[%get3A, %get3A_270] {strides = array<i32>} : memref<72x128xf32, #tpu.memory_space<vmem>>, vector<1x16xf32>,
        %get3A_272 = vector.shape_cast %get3A_271 : vector<1x16xf32> to vector<16xf32>
        %add3A_273 = arith.addf %scan3A_258, %get3A_272 : vector<16xf32>
        %mul3A_274 = arith.constant 4 : i32
        %mul3A_275 = arith.muli %scan3A_257, %mul3A_274 : i32
        %add3A_276 = arith.constant 0 : i32
        %add3A_277 = arith.addi %mul3A_275, %add3A_276 : i32
        %get3A_278 = arith.index_cast %add3A_277 : i32 to index
        %get3A_279 = arith.constant 16 : index
        %get3A_280 = tpu.vector_load %arg11[%get3A_278, %get3A_279] {strides = array<i32>} : memref<72x128xf32, #tpu.memory_space<vmem>>, vector<1x16xf32>,
        %get3A_281 = vector.shape_cast %get3A_280 : vector<1x16xf32> to vector<16xf32>
        %add3A_282 = arith.addf %scan3A_259, %get3A_281 : vector<16xf32>
        %mul3A_283 = arith.constant 4 : i32
        %mul3A_284 = arith.muli %scan3A_257, %mul3A_283 : i32
        %add3A_285 = arith.constant 0 : i32
        %add3A_286 = arith.addi %mul3A_284, %add3A_285 : i32
        %get3A_287 = arith.index_cast %add3A_286 : i32 to index
        %get3A_288 = arith.constant 32 : index
        %get3A_289 = tpu.vector_load %arg11[%get3A_287, %get3A_288] {strides = array<i32>} : memref<72x128xf32, #tpu.memory_space<vmem>>, vector<1x16xf32>,
        %get3A_290 = vector.shape_cast %get3A_289 : vector<1x16xf32> to vector<16xf32>
        %add3A_291 = arith.addf %scan3A_260, %get3A_290 : vector<16xf32>
        %mul3A_292 = arith.constant 4 : i32
        %mul3A_293 = arith.muli %scan3A_257, %mul3A_292 : i32
        %add3A_294 = arith.constant 0 : i32
        %add3A_295 = arith.addi %mul3A_293, %add3A_294 : i32
        %get3A_296 = arith.index_cast %add3A_295 : i32 to index
        %get3A_297 = arith.constant 48 : index
        %get3A_298 = tpu.vector_load %arg11[%get3A_296, %get3A_297] {strides = array<i32>} : memref<72x128xf32, #tpu.memory_space<vmem>>, vector<1x16xf32>,
        %get3A_299 = vector.shape_cast %get3A_298 : vector<1x16xf32> to vector<16xf32>
        %add3A_300 = arith.addf %scan3A_261, %get3A_299 : vector<16xf32>
        %mul3A_301 = arith.constant 4 : i32
        %mul3A_302 = arith.muli %scan3A_257, %mul3A_301 : i32
        %add3A_303 = arith.constant 0 : i32
        %add3A_304 = arith.addi %mul3A_302, %add3A_303 : i32
        %get3A_305 = arith.index_cast %add3A_304 : i32 to index
        %get3A_306 = arith.constant 64 : index
        %get3A_307 = tpu.vector_load %arg11[%get3A_305, %get3A_306] {strides = array<i32>} : memref<72x128xf32, #tpu.memory_space<vmem>>, vector<1x16xf32>,
        %get3A_308 = vector.shape_cast %get3A_307 : vector<1x16xf32> to vector<16xf32>
        %add3A_309 = arith.addf %scan3A_262, %get3A_308 : vector<16xf32>
        %mul3A_310 = arith.constant 4 : i32
        %mul3A_311 = arith.muli %scan3A_257, %mul3A_310 : i32
        %add3A_312 = arith.constant 0 : i32
        %add3A_313 = arith.addi %mul3A_311, %add3A_312 : i32
        %get3A_314 = arith.index_cast %add3A_313 : i32 to index
        %get3A_315 = arith.constant 80 : index
        %get3A_316 = tpu.vector_load %arg11[%get3A_314, %get3A_315] {strides = array<i32>} : memref<72x128xf32, #tpu.memory_space<vmem>>, vector<1x16xf32>,
        %get3A_317 = vector.shape_cast %get3A_316 : vector<1x16xf32> to vector<16xf32>
        %add3A_318 = arith.addf %scan3A_263, %get3A_317 : vector<16xf32>
        %mul3A_319 = arith.constant 4 : i32
        %mul3A_320 = arith.muli %scan3A_257, %mul3A_319 : i32
        %add3A_321 = arith.constant 0 : i32
        %add3A_322 = arith.addi %mul3A_320, %add3A_321 : i32
        %get3A_323 = arith.index_cast %add3A_322 : i32 to index
        %get3A_324 = arith.constant 96 : index
        %get3A_325 = tpu.vector_load %arg11[%get3A_323, %get3A_324] {strides = array<i32>} : memref<72x128xf32, #tpu.memory_space<vmem>>, vector<1x16xf32>,
        %get3A_326 = vector.shape_cast %get3A_325 : vector<1x16xf32> to vector<16xf32>
        %add3A_327 = arith.addf %scan3A_264, %get3A_326 : vector<16xf32>
        %mul3A_328 = arith.constant 4 : i32
        %mul3A_329 = arith.muli %scan3A_257, %mul3A_328 : i32
        %add3A_330 = arith.constant 0 : i32
        %add3A_331 = arith.addi %mul3A_329, %add3A_330 : i32
        %get3A_332 = arith.index_cast %add3A_331 : i32 to index
        %get3A_333 = arith.constant 112 : index
        %get3A_334 = tpu.vector_load %arg11[%get3A_332, %get3A_333] {strides = array<i32>} : memref<72x128xf32, #tpu.memory_space<vmem>>, vector<1x16xf32>,
        %get3A_335 = vector.shape_cast %get3A_334 : vector<1x16xf32> to vector<16xf32>
        %add3A_336 = arith.addf %scan3A_265, %get3A_335 : vector<16xf32>
        %mul3A_337 = arith.constant 4 : i32
        %mul3A_338 = arith.muli %scan3A_257, %mul3A_337 : i32
        %add3A_339 = arith.constant 1 : i32
        %add3A_340 = arith.addi %mul3A_338, %add3A_339 : i32
        %get3A_341 = arith.index_cast %add3A_340 : i32 to index
        %get3A_342 = arith.constant 0 : index
        %get3A_343 = tpu.vector_load %arg11[%get3A_341, %get3A_342] {strides = array<i32>} : memref<72x128xf32, #tpu.memory_space<vmem>>, vector<1x16xf32>,
        %get3A_344 = vector.shape_cast %get3A_343 : vector<1x16xf32> to vector<16xf32>
        %add3A_345 = arith.addf %add3A_273, %get3A_344 : vector<16xf32>
        %mul3A_346 = arith.constant 4 : i32
        %mul3A_347 = arith.muli %scan3A_257, %mul3A_346 : i32
        %add3A_348 = arith.constant 1 : i32
        %add3A_349 = arith.addi %mul3A_347, %add3A_348 : i32
        %get3A_350 = arith.index_cast %add3A_349 : i32 to index
        %get3A_351 = arith.constant 16 : index
        %get3A_352 = tpu.vector_load %arg11[%get3A_350, %get3A_351] {strides = array<i32>} : memref<72x128xf32, #tpu.memory_space<vmem>>, vector<1x16xf32>,
        %get3A_353 = vector.shape_cast %get3A_352 : vector<1x16xf32> to vector<16xf32>
        %add3A_354 = arith.addf %add3A_282, %get3A_353 : vector<16xf32>
        %mul3A_355 = arith.constant 4 : i32
        %mul3A_356 = arith.muli %scan3A_257, %mul3A_355 : i32
        %add3A_357 = arith.constant 1 : i32
        %add3A_358 = arith.addi %mul3A_356, %add3A_357 : i32
        %get3A_359 = arith.index_cast %add3A_358 : i32 to index
        %get3A_360 = arith.constant 32 : index
        %get3A_361 = tpu.vector_load %arg11[%get3A_359, %get3A_360] {strides = array<i32>} : memref<72x128xf32, #tpu.memory_space<vmem>>, vector<1x16xf32>,
        %get3A_362 = vector.shape_cast %get3A_361 : vector<1x16xf32> to vector<16xf32>
        %add3A_363 = arith.addf %add3A_291, %get3A_362 : vector<16xf32>
        %mul3A_364 = arith.constant 4 : i32
        %mul3A_365 = arith.muli %scan3A_257, %mul3A_364 : i32
        %add3A_366 = arith.constant 1 : i32
        %add3A_367 = arith.addi %mul3A_365, %add3A_366 : i32
        %get3A_368 = arith.index_cast %add3A_367 : i32 to index
        %get3A_369 = arith.constant 48 : index
        %get3A_370 = tpu.vector_load %arg11[%get3A_368, %get3A_369] {strides = array<i32>} : memref<72x128xf32, #tpu.memory_space<vmem>>, vector<1x16xf32>,
        %get3A_371 = vector.shape_cast %get3A_370 : vector<1x16xf32> to vector<16xf32>
        %add3A_372 = arith.addf %add3A_300, %get3A_371 : vector<16xf32>
        %mul3A_373 = arith.constant 4 : i32
        %mul3A_374 = arith.muli %scan3A_257, %mul3A_373 : i32
        %add3A_375 = arith.constant 1 : i32
        %add3A_376 = arith.addi %mul3A_374, %add3A_375 : i32
        %get3A_377 = arith.index_cast %add3A_376 : i32 to index
        %get3A_378 = arith.constant 64 : index
        %get3A_379 = tpu.vector_load %arg11[%get3A_377, %get3A_378] {strides = array<i32>} : memref<72x128xf32, #tpu.memory_space<vmem>>, vector<1x16xf32>,
        %get3A_380 = vector.shape_cast %get3A_379 : vector<1x16xf32> to vector<16xf32>
        %add3A_381 = arith.addf %add3A_309, %get3A_380 : vector<16xf32>
        %mul3A_382 = arith.constant 4 : i32
        %mul3A_383 = arith.muli %scan3A_257, %mul3A_382 : i32
        %add3A_384 = arith.constant 1 : i32
        %add3A_385 = arith.addi %mul3A_383, %add3A_384 : i32
        %get3A_386 = arith.index_cast %add3A_385 : i32 to index
        %get3A_387 = arith.constant 80 : index
        %get3A_388 = tpu.vector_load %arg11[%get3A_386, %get3A_387] {strides = array<i32>} : memref<72x128xf32, #tpu.memory_space<vmem>>, vector<1x16xf32>,
        %get3A_389 = vector.shape_cast %get3A_388 : vector<1x16xf32> to vector<16xf32>
        %add3A_390 = arith.addf %add3A_318, %get3A_389 : vector<16xf32>
        %mul3A_391 = arith.constant 4 : i32
        %mul3A_392 = arith.muli %scan3A_257, %mul3A_391 : i32
        %add3A_393 = arith.constant 1 : i32
        %add3A_394 = arith.addi %mul3A_392, %add3A_393 : i32
        %get3A_395 = arith.index_cast %add3A_394 : i32 to index
        %get3A_396 = arith.constant 96 : index
        %get3A_397 = tpu.vector_load %arg11[%get3A_395, %get3A_396] {strides = array<i32>} : memref<72x128xf32, #tpu.memory_space<vmem>>, vector<1x16xf32>,
        %get3A_398 = vector.shape_cast %get3A_397 : vector<1x16xf32> to vector<16xf32>
        %add3A_399 = arith.addf %add3A_327, %get3A_398 : vector<16xf32>
        %mul3A_400 = arith.constant 4 : i32
        %mul3A_401 = arith.muli %scan3A_257, %mul3A_400 : i32
        %add3A_402 = arith.constant 1 : i32
        %add3A_403 = arith.addi %mul3A_401, %add3A_402 : i32
        %get3A_404 = arith.index_cast %add3A_403 : i32 to index
        %get3A_405 = arith.constant 112 : index
        %get3A_406 = tpu.vector_load %arg11[%get3A_404, %get3A_405] {strides = array<i32>} : memref<72x128xf32, #tpu.memory_space<vmem>>, vector<1x16xf32>,
        %get3A_407 = vector.shape_cast %get3A_406 : vector<1x16xf32> to vector<16xf32>
        %add3A_408 = arith.addf %add3A_336, %get3A_407 : vector<16xf32>
        %mul3A_409 = arith.constant 4 : i32
        %mul3A_410 = arith.muli %scan3A_257, %mul3A_409 : i32
        %add3A_411 = arith.constant 2 : i32
        %add3A_412 = arith.addi %mul3A_410, %add3A_411 : i32
        %get3A_413 = arith.index_cast %add3A_412 : i32 to index
        %get3A_414 = arith.constant 0 : index
        %get3A_415 = tpu.vector_load %arg11[%get3A_413, %get3A_414] {strides = array<i32>} : memref<72x128xf32, #tpu.memory_space<vmem>>, vector<1x16xf32>,
        %get3A_416 = vector.shape_cast %get3A_415 : vector<1x16xf32> to vector<16xf32>
        %add3A_417 = arith.addf %add3A_345, %get3A_416 : vector<16xf32>
        %mul3A_418 = arith.constant 4 : i32
        %mul3A_419 = arith.muli %scan3A_257, %mul3A_418 : i32
        %add3A_420 = arith.constant 2 : i32
        %add3A_421 = arith.addi %mul3A_419, %add3A_420 : i32
        %get3A_422 = arith.index_cast %add3A_421 : i32 to index
        %get3A_423 = arith.constant 16 : index
        %get3A_424 = tpu.vector_load %arg11[%get3A_422, %get3A_423] {strides = array<i32>} : memref<72x128xf32, #tpu.memory_space<vmem>>, vector<1x16xf32>,
        %get3A_425 = vector.shape_cast %get3A_424 : vector<1x16xf32> to vector<16xf32>
        %add3A_426 = arith.addf %add3A_354, %get3A_425 : vector<16xf32>
        %mul3A_427 = arith.constant 4 : i32
        %mul3A_428 = arith.muli %scan3A_257, %mul3A_427 : i32
        %add3A_429 = arith.constant 2 : i32
        %add3A_430 = arith.addi %mul3A_428, %add3A_429 : i32
        %get3A_431 = arith.index_cast %add3A_430 : i32 to index
        %get3A_432 = arith.constant 32 : index
        %get3A_433 = tpu.vector_load %arg11[%get3A_431, %get3A_432] {strides = array<i32>} : memref<72x128xf32, #tpu.memory_space<vmem>>, vector<1x16xf32>,
        %get3A_434 = vector.shape_cast %get3A_433 : vector<1x16xf32> to vector<16xf32>
        %add3A_435 = arith.addf %add3A_363, %get3A_434 : vector<16xf32>
        %mul3A_436 = arith.constant 4 : i32
        %mul3A_437 = arith.muli %scan3A_257, %mul3A_436 : i32
        %add3A_438 = arith.constant 2 : i32
        %add3A_439 = arith.addi %mul3A_437, %add3A_438 : i32
        %get3A_440 = arith.index_cast %add3A_439 : i32 to index
        %get3A_441 = arith.constant 48 : index
        %get3A_442 = tpu.vector_load %arg11[%get3A_440, %get3A_441] {strides = array<i32>} : memref<72x128xf32, #tpu.memory_space<vmem>>, vector<1x16xf32>,
        %get3A_443 = vector.shape_cast %get3A_442 : vector<1x16xf32> to vector<16xf32>
        %add3A_444 = arith.addf %add3A_372, %get3A_443 : vector<16xf32>
        %mul3A_445 = arith.constant 4 : i32
        %mul3A_446 = arith.muli %scan3A_257, %mul3A_445 : i32
        %add3A_447 = arith.constant 2 : i32
        %add3A_448 = arith.addi %mul3A_446, %add3A_447 : i32
        %get3A_449 = arith.index_cast %add3A_448 : i32 to index
        %get3A_450 = arith.constant 64 : index
        %get3A_451 = tpu.vector_load %arg11[%get3A_449, %get3A_450] {strides = array<i32>} : memref<72x128xf32, #tpu.memory_space<vmem>>, vector<1x16xf32>,
        %get3A_452 = vector.shape_cast %get3A_451 : vector<1x16xf32> to vector<16xf32>
        %add3A_453 = arith.addf %add3A_381, %get3A_452 : vector<16xf32>
        %mul3A_454 = arith.constant 4 : i32
        %mul3A_455 = arith.muli %scan3A_257, %mul3A_454 : i32
        %add3A_456 = arith.constant 2 : i32
        %add3A_457 = arith.addi %mul3A_455, %add3A_456 : i32
        %get3A_458 = arith.index_cast %add3A_457 : i32 to index
        %get3A_459 = arith.constant 80 : index
        %get3A_460 = tpu.vector_load %arg11[%get3A_458, %get3A_459] {strides = array<i32>} : memref<72x128xf32, #tpu.memory_space<vmem>>, vector<1x16xf32>,
        %get3A_461 = vector.shape_cast %get3A_460 : vector<1x16xf32> to vector<16xf32>
        %add3A_462 = arith.addf %add3A_390, %get3A_461 : vector<16xf32>
        %mul3A_463 = arith.constant 4 : i32
        %mul3A_464 = arith.muli %scan3A_257, %mul3A_463 : i32
        %add3A_465 = arith.constant 2 : i32
        %add3A_466 = arith.addi %mul3A_464, %add3A_465 : i32
        %get3A_467 = arith.index_cast %add3A_466 : i32 to index
        %get3A_468 = arith.constant 96 : index
        %get3A_469 = tpu.vector_load %arg11[%get3A_467, %get3A_468] {strides = array<i32>} : memref<72x128xf32, #tpu.memory_space<vmem>>, vector<1x16xf32>,
        %get3A_470 = vector.shape_cast %get3A_469 : vector<1x16xf32> to vector<16xf32>
        %add3A_471 = arith.addf %add3A_399, %get3A_470 : vector<16xf32>
        %mul3A_472 = arith.constant 4 : i32
        %mul3A_473 = arith.muli %scan3A_257, %mul3A_472 : i32
        %add3A_474 = arith.constant 2 : i32
        %add3A_475 = arith.addi %mul3A_473, %add3A_474 : i32
        %get3A_476 = arith.index_cast %add3A_475 : i32 to index
        %get3A_477 = arith.constant 112 : index
        %get3A_478 = tpu.vector_load %arg11[%get3A_476, %get3A_477] {strides = array<i32>} : memref<72x128xf32, #tpu.memory_space<vmem>>, vector<1x16xf32>,
        %get3A_479 = vector.shape_cast %get3A_478 : vector<1x16xf32> to vector<16xf32>
        %add3A_480 = arith.addf %add3A_408, %get3A_479 : vector<16xf32>
        %mul3A_481 = arith.constant 4 : i32
        %mul3A_482 = arith.muli %scan3A_257, %mul3A_481 : i32
        %add3A_483 = arith.constant 3 : i32
        %add3A_484 = arith.addi %mul3A_482, %add3A_483 : i32
        %get3A_485 = arith.index_cast %add3A_484 : i32 to index
        %get3A_486 = arith.constant 0 : index
        %get3A_487 = tpu.vector_load %arg11[%get3A_485, %get3A_486] {strides = array<i32>} : memref<72x128xf32, #tpu.memory_space<vmem>>, vector<1x16xf32>,
        %get3A_488 = vector.shape_cast %get3A_487 : vector<1x16xf32> to vector<16xf32>
        %add3A_489 = arith.addf %add3A_417, %get3A_488 : vector<16xf32>
        %mul3A_490 = arith.constant 4 : i32
        %mul3A_491 = arith.muli %scan3A_257, %mul3A_490 : i32
        %add3A_492 = arith.constant 3 : i32
        %add3A_493 = arith.addi %mul3A_491, %add3A_492 : i32
        %get3A_494 = arith.index_cast %add3A_493 : i32 to index
        %get3A_495 = arith.constant 16 : index
        %get3A_496 = tpu.vector_load %arg11[%get3A_494, %get3A_495] {strides = array<i32>} : memref<72x128xf32, #tpu.memory_space<vmem>>, vector<1x16xf32>,
        %get3A_497 = vector.shape_cast %get3A_496 : vector<1x16xf32> to vector<16xf32>
        %add3A_498 = arith.addf %add3A_426, %get3A_497 : vector<16xf32>
        %mul3A_499 = arith.constant 4 : i32
        %mul3A_500 = arith.muli %scan3A_257, %mul3A_499 : i32
        %add3A_501 = arith.constant 3 : i32
        %add3A_502 = arith.addi %mul3A_500, %add3A_501 : i32
        %get3A_503 = arith.index_cast %add3A_502 : i32 to index
        %get3A_504 = arith.constant 32 : index
        %get3A_505 = tpu.vector_load %arg11[%get3A_503, %get3A_504] {strides = array<i32>} : memref<72x128xf32, #tpu.memory_space<vmem>>, vector<1x16xf32>,
        %get3A_506 = vector.shape_cast %get3A_505 : vector<1x16xf32> to vector<16xf32>
        %add3A_507 = arith.addf %add3A_435, %get3A_506 : vector<16xf32>
        %mul3A_508 = arith.constant 4 : i32
        %mul3A_509 = arith.muli %scan3A_257, %mul3A_508 : i32
        %add3A_510 = arith.constant 3 : i32
        %add3A_511 = arith.addi %mul3A_509, %add3A_510 : i32
        %get3A_512 = arith.index_cast %add3A_511 : i32 to index
        %get3A_513 = arith.constant 48 : index
        %get3A_514 = tpu.vector_load %arg11[%get3A_512, %get3A_513] {strides = array<i32>} : memref<72x128xf32, #tpu.memory_space<vmem>>, vector<1x16xf32>,
        %get3A_515 = vector.shape_cast %get3A_514 : vector<1x16xf32> to vector<16xf32>
        %add3A_516 = arith.addf %add3A_444, %get3A_515 : vector<16xf32>
        %mul3A_517 = arith.constant 4 : i32
        %mul3A_518 = arith.muli %scan3A_257, %mul3A_517 : i32
        %add3A_519 = arith.constant 3 : i32
        %add3A_520 = arith.addi %mul3A_518, %add3A_519 : i32
        %get3A_521 = arith.index_cast %add3A_520 : i32 to index
        %get3A_522 = arith.constant 64 : index
        %get3A_523 = tpu.vector_load %arg11[%get3A_521, %get3A_522] {strides = array<i32>} : memref<72x128xf32, #tpu.memory_space<vmem>>, vector<1x16xf32>,
        %get3A_524 = vector.shape_cast %get3A_523 : vector<1x16xf32> to vector<16xf32>
        %add3A_525 = arith.addf %add3A_453, %get3A_524 : vector<16xf32>
        %mul3A_526 = arith.constant 4 : i32
        %mul3A_527 = arith.muli %scan3A_257, %mul3A_526 : i32
        %add3A_528 = arith.constant 3 : i32
        %add3A_529 = arith.addi %mul3A_527, %add3A_528 : i32
        %get3A_530 = arith.index_cast %add3A_529 : i32 to index
        %get3A_531 = arith.constant 80 : index
        %get3A_532 = tpu.vector_load %arg11[%get3A_530, %get3A_531] {strides = array<i32>} : memref<72x128xf32, #tpu.memory_space<vmem>>, vector<1x16xf32>,
        %get3A_533 = vector.shape_cast %get3A_532 : vector<1x16xf32> to vector<16xf32>
        %add3A_534 = arith.addf %add3A_462, %get3A_533 : vector<16xf32>
        %mul3A_535 = arith.constant 4 : i32
        %mul3A_536 = arith.muli %scan3A_257, %mul3A_535 : i32
        %add3A_537 = arith.constant 3 : i32
        %add3A_538 = arith.addi %mul3A_536, %add3A_537 : i32
        %get3A_539 = arith.index_cast %add3A_538 : i32 to index
        %get3A_540 = arith.constant 96 : index
        %get3A_541 = tpu.vector_load %arg11[%get3A_539, %get3A_540] {strides = array<i32>} : memref<72x128xf32, #tpu.memory_space<vmem>>, vector<1x16xf32>,
        %get3A_542 = vector.shape_cast %get3A_541 : vector<1x16xf32> to vector<16xf32>
        %add3A_543 = arith.addf %add3A_471, %get3A_542 : vector<16xf32>
        %mul3A_544 = arith.constant 4 : i32
        %mul3A_545 = arith.muli %scan3A_257, %mul3A_544 : i32
        %add3A_546 = arith.constant 3 : i32
        %add3A_547 = arith.addi %mul3A_545, %add3A_546 : i32
        %get3A_548 = arith.index_cast %add3A_547 : i32 to index
        %get3A_549 = arith.constant 112 : index
        %get3A_550 = tpu.vector_load %arg11[%get3A_548, %get3A_549] {strides = array<i32>} : memref<72x128xf32, #tpu.memory_space<vmem>>, vector<1x16xf32>,
        %get3A_551 = vector.shape_cast %get3A_550 : vector<1x16xf32> to vector<16xf32>
        %add3A_552 = arith.addf %add3A_480, %get3A_551 : vector<16xf32>
        scf.yield %add3A_489, %add3A_498, %add3A_507, %add3A_516, %add3A_525, %add3A_534, %add3A_543, %add3A_552 : vector<16xf32>, vector<16xf32>, vector<16xf32>, vector<16xf32>, vector<16xf32>, vector<16xf32>, vector<16xf32>, vector<16xf32>
      }
      %scan3A_192 = arith.constant 18 : i32
      %mul3A_193 = arith.constant 5.000000e-03 : f32
      %mul3A_194 = vector.broadcast %mul3A_193 : f32 to vector<16xf32>
      %mul3A_195 = arith.mulf %scan3A_191#0, %mul3A_194 : vector<16xf32>
      %swap3A_196 = arith.index_cast %add3A_164 : i32 to index
      %swap3A_197 = arith.constant 0 : index
      %swap3A_198 = tpu.vector_load %arg12[%swap3A_196, %swap3A_197] {strides = array<i32>} : memref<128x128xf32, #tpu.memory_space<vmem>>, vector<1x16xf32>,
      %swap3A_199 = vector.shape_cast %swap3A_198 : vector<1x16xf32> to vector<16xf32>
      %swap3A_200 = vector.shape_cast %mul3A_195 : vector<16xf32> to vector<1x16xf32>
      tpu.vector_store %arg12[%swap3A_196, %swap3A_197], %swap3A_200 {strides = array<i32>} : memref<128x128xf32, #tpu.memory_space<vmem>>, vector<1x16xf32>,
      %mul3A_201 = arith.constant 5.000000e-03 : f32
      %mul3A_202 = vector.broadcast %mul3A_201 : f32 to vector<16xf32>
      %mul3A_203 = arith.mulf %scan3A_191#1, %mul3A_202 : vector<16xf32>
      %swap3A_204 = arith.index_cast %add3A_164 : i32 to index
      %swap3A_205 = arith.constant 16 : index
      %swap3A_206 = tpu.vector_load %arg12[%swap3A_204, %swap3A_205] {strides = array<i32>} : memref<128x128xf32, #tpu.memory_space<vmem>>, vector<1x16xf32>,
      %swap3A_207 = vector.shape_cast %swap3A_206 : vector<1x16xf32> to vector<16xf32>
      %swap3A_208 = vector.shape_cast %mul3A_203 : vector<16xf32> to vector<1x16xf32>
      tpu.vector_store %arg12[%swap3A_204, %swap3A_205], %swap3A_208 {strides = array<i32>} : memref<128x128xf32, #tpu.memory_space<vmem>>, vector<1x16xf32>,
      %mul3A_209 = arith.constant 5.000000e-03 : f32
      %mul3A_210 = vector.broadcast %mul3A_209 : f32 to vector<16xf32>
      %mul3A_211 = arith.mulf %scan3A_191#2, %mul3A_210 : vector<16xf32>
      %swap3A_212 = arith.index_cast %add3A_164 : i32 to index
      %swap3A_213 = arith.constant 32 : index
      %swap3A_214 = tpu.vector_load %arg12[%swap3A_212, %swap3A_213] {strides = array<i32>} : memref<128x128xf32, #tpu.memory_space<vmem>>, vector<1x16xf32>,
      %swap3A_215 = vector.shape_cast %swap3A_214 : vector<1x16xf32> to vector<16xf32>
      %swap3A_216 = vector.shape_cast %mul3A_211 : vector<16xf32> to vector<1x16xf32>
      tpu.vector_store %arg12[%swap3A_212, %swap3A_213], %swap3A_216 {strides = array<i32>} : memref<128x128xf32, #tpu.memory_space<vmem>>, vector<1x16xf32>,
      %mul3A_217 = arith.constant 5.000000e-03 : f32
      %mul3A_218 = vector.broadcast %mul3A_217 : f32 to vector<16xf32>
      %mul3A_219 = arith.mulf %scan3A_191#3, %mul3A_218 : vector<16xf32>
      %swap3A_220 = arith.index_cast %add3A_164 : i32 to index
      %swap3A_221 = arith.constant 48 : index
      %swap3A_222 = tpu.vector_load %arg12[%swap3A_220, %swap3A_221] {strides = array<i32>} : memref<128x128xf32, #tpu.memory_space<vmem>>, vector<1x16xf32>,
      %swap3A_223 = vector.shape_cast %swap3A_222 : vector<1x16xf32> to vector<16xf32>
      %swap3A_224 = vector.shape_cast %mul3A_219 : vector<16xf32> to vector<1x16xf32>
      tpu.vector_store %arg12[%swap3A_220, %swap3A_221], %swap3A_224 {strides = array<i32>} : memref<128x128xf32, #tpu.memory_space<vmem>>, vector<1x16xf32>,
      %mul3A_225 = arith.constant 5.000000e-03 : f32
      %mul3A_226 = vector.broadcast %mul3A_225 : f32 to vector<16xf32>
      %mul3A_227 = arith.mulf %scan3A_191#4, %mul3A_226 : vector<16xf32>
      %swap3A_228 = arith.index_cast %add3A_164 : i32 to index
      %swap3A_229 = arith.constant 64 : index
      %swap3A_230 = tpu.vector_load %arg12[%swap3A_228, %swap3A_229] {strides = array<i32>} : memref<128x128xf32, #tpu.memory_space<vmem>>, vector<1x16xf32>,
      %swap3A_231 = vector.shape_cast %swap3A_230 : vector<1x16xf32> to vector<16xf32>
      %swap3A_232 = vector.shape_cast %mul3A_227 : vector<16xf32> to vector<1x16xf32>
      tpu.vector_store %arg12[%swap3A_228, %swap3A_229], %swap3A_232 {strides = array<i32>} : memref<128x128xf32, #tpu.memory_space<vmem>>, vector<1x16xf32>,
      %mul3A_233 = arith.constant 5.000000e-03 : f32
      %mul3A_234 = vector.broadcast %mul3A_233 : f32 to vector<16xf32>
      %mul3A_235 = arith.mulf %scan3A_191#5, %mul3A_234 : vector<16xf32>
      %swap3A_236 = arith.index_cast %add3A_164 : i32 to index
      %swap3A_237 = arith.constant 80 : index
      %swap3A_238 = tpu.vector_load %arg12[%swap3A_236, %swap3A_237] {strides = array<i32>} : memref<128x128xf32, #tpu.memory_space<vmem>>, vector<1x16xf32>,
      %swap3A_239 = vector.shape_cast %swap3A_238 : vector<1x16xf32> to vector<16xf32>
      %swap3A_240 = vector.shape_cast %mul3A_235 : vector<16xf32> to vector<1x16xf32>
      tpu.vector_store %arg12[%swap3A_236, %swap3A_237], %swap3A_240 {strides = array<i32>} : memref<128x128xf32, #tpu.memory_space<vmem>>, vector<1x16xf32>,
      %mul3A_241 = arith.constant 5.000000e-03 : f32
      %mul3A_242 = vector.broadcast %mul3A_241 : f32 to vector<16xf32>
      %mul3A_243 = arith.mulf %scan3A_191#6, %mul3A_242 : vector<16xf32>
      %swap3A_244 = arith.index_cast %add3A_164 : i32 to index
      %swap3A_245 = arith.constant 96 : index
      %swap3A_246 = tpu.vector_load %arg12[%swap3A_244, %swap3A_245] {strides = array<i32>} : memref<128x128xf32, #tpu.memory_space<vmem>>, vector<1x16xf32>,
      %swap3A_247 = vector.shape_cast %swap3A_246 : vector<1x16xf32> to vector<16xf32>
      %swap3A_248 = vector.shape_cast %mul3A_243 : vector<16xf32> to vector<1x16xf32>
      tpu.vector_store %arg12[%swap3A_244, %swap3A_245], %swap3A_248 {strides = array<i32>} : memref<128x128xf32, #tpu.memory_space<vmem>>, vector<1x16xf32>,
      %mul3A_249 = arith.constant 5.000000e-03 : f32
      %mul3A_250 = vector.broadcast %mul3A_249 : f32 to vector<16xf32>
      %mul3A_251 = arith.mulf %scan3A_191#7, %mul3A_250 : vector<16xf32>
      %swap3A_252 = arith.index_cast %add3A_164 : i32 to index
      %swap3A_253 = arith.constant 112 : index
      %swap3A_254 = tpu.vector_load %arg12[%swap3A_252, %swap3A_253] {strides = array<i32>} : memref<128x128xf32, #tpu.memory_space<vmem>>, vector<1x16xf32>,
      %swap3A_255 = vector.shape_cast %swap3A_254 : vector<1x16xf32> to vector<16xf32>
      %swap3A_256 = vector.shape_cast %mul3A_251 : vector<16xf32> to vector<1x16xf32>
      tpu.vector_store %arg12[%swap3A_252, %swap3A_253], %swap3A_256 {strides = array<i32>} : memref<128x128xf32, #tpu.memory_space<vmem>>, vector<1x16xf32>,
    }
    %scan3A_23 = arith.constant 64 : i32
    "tpu.region"() ({
      %run_scoped3A = tpu.sem_alloc : memref<!tpu.dma_semaphore, #tpu.memory_space<semaphore_mem>>
      %dma_start3A_24 = arith.constant 0 : i32
      %dma_start3A_25 = tpu.memref_slice %arg5[%mul3A_2, %dma_start3A_24] : memref<4096x128xf32, #tpu.memory_space<hbm>> -> memref<128x128xf32, #tpu.memory_space<hbm>>
      %dma_start3A_26 = arith.constant 0 : i32
      %dma_start3A_27 = tpu.memref_slice %arg5[%mul3A_2, %dma_start3A_26] : memref<4096x128xf32, #tpu.memory_space<hbm>> -> memref<128x128xf32, #tpu.memory_space<hbm>>
      tpu.enqueue_dma source(%arg12 : memref<128x128xf32, #tpu.memory_space<vmem>>) target(%dma_start3A_27 : memref<128x128xf32, #tpu.memory_space<hbm>>) target_semaphore(%run_scoped3A : memref<!tpu.dma_semaphore, #tpu.memory_space<semaphore_mem>>)
      %dma_wait3A_28 = arith.constant 0 : i32
      %dma_wait3A_29 = tpu.memref_slice %arg5[%mul3A_2, %dma_wait3A_28] : memref<4096x128xf32, #tpu.memory_space<hbm>> -> memref<128x128xf32, #tpu.memory_space<hbm>>
      %dma_wait3A_30 = arith.constant 0 : i32
      %dma_wait3A_31 = tpu.memref_slice %arg5[%mul3A_2, %dma_wait3A_30] : memref<4096x128xf32, #tpu.memory_space<hbm>> -> memref<128x128xf32, #tpu.memory_space<hbm>>
      tpu.wait_dma2 semaphore(%run_scoped3A : memref<!tpu.dma_semaphore, #tpu.memory_space<semaphore_mem>>) src(%arg12 : memref<128x128xf32, #tpu.memory_space<vmem>>) dst(%dma_wait3A_31 : memref<128x128xf32, #tpu.memory_space<hbm>>)
      tpu.yield
    }) : () -> ()
    return
  }
}

module attributes {stable_mosaic.version = 14 : i64} {
  func.func @_tc_score_body(%arg0: memref<4096x128xf32, #tpu.memory_space<vmem>>, %arg1: memref<4096x128xf32, #tpu.memory_space<vmem>>, %arg2: memref<4096x1xf32, #tpu.memory_space<vmem>>, %arg3: memref<4096x1xf32, #tpu.memory_space<vmem>>, %arg4: memref<1x1xf32, #tpu.memory_space<vmem>>) attributes {dimension_semantics = [], scalar_prefetch = 0 : i64, scratch_operands = 0 : i64, tpu.core_type = #tpu.core_type<tc>} {
    %get3A = arith.constant 0 : index
    %get3A_0 = arith.constant 0 : index
    %get3A_1 = vector.load %arg0[%get3A, %get3A_0] : memref<4096x128xf32, #tpu.memory_space<vmem>>, vector<4096x128xf32>
    %get3A_2 = arith.constant 0 : index
    %get3A_3 = arith.constant 0 : index
    %get3A_4 = vector.load %arg1[%get3A_2, %get3A_3] : memref<4096x128xf32, #tpu.memory_space<vmem>>, vector<4096x128xf32>
    %mul3A = arith.mulf %get3A_1, %get3A_4 : vector<4096x128xf32>
    %reduce_sum3A = arith.constant dense<0.000000e+00> : vector<4096xf32>
    %reduce_sum3A_5 = vector.multi_reduction <add>, %mul3A, %reduce_sum3A [1] : vector<4096x128xf32> to vector<4096xf32>
    %broadcast_in_dim3A = vector.shape_cast %reduce_sum3A_5 : vector<4096xf32> to vector<4096x1xf32>
    %logistic3A = arith.negf %broadcast_in_dim3A : vector<4096x1xf32>
    %logistic3A_6 = math.exp %logistic3A : vector<4096x1xf32>
    %logistic3A_7 = arith.constant 1.000000e+00 : f32
    %logistic3A_8 = vector.broadcast %logistic3A_7 : f32 to vector<4096x1xf32>
    %logistic3A_9 = arith.addf %logistic3A_8, %logistic3A_6 : vector<4096x1xf32>
    %logistic3A_10 = arith.divf %logistic3A_8, %logistic3A_9 : vector<4096x1xf32>
    %swap3A = arith.constant 0 : index
    %swap3A_11 = arith.constant 0 : index
    %swap3A_12 = vector.load %arg3[%swap3A, %swap3A_11] : memref<4096x1xf32, #tpu.memory_space<vmem>>, vector<4096x1xf32>
    tpu.vector_store %arg3[%swap3A, %swap3A_11], %logistic3A_10 {strides = array<i32>} : memref<4096x1xf32, #tpu.memory_space<vmem>>, vector<4096x1xf32>,
    %get3A_13 = arith.constant 0 : index
    %get3A_14 = arith.constant 0 : index
    %get3A_15 = vector.load %arg2[%get3A_13, %get3A_14] : memref<4096x1xf32, #tpu.memory_space<vmem>>, vector<4096x1xf32>
    %jit3A = arith.constant 9.99999996E-13 : f32
    %jit3A_16 = arith.constant 1.000000e+00 : f32
    %max3A = vector.broadcast %jit3A : f32 to vector<4096x1xf32>
    %max3A_17 = arith.maximumf %max3A, %logistic3A_10 : vector<4096x1xf32>
    %min3A = vector.broadcast %jit3A_16 : f32 to vector<4096x1xf32>
    %min3A_18 = arith.minimumf %min3A, %max3A_17 : vector<4096x1xf32>
    %log3A = math.log %min3A_18 : vector<4096x1xf32>
    %mul3A_19 = arith.mulf %get3A_15, %log3A : vector<4096x1xf32>
    %sub3A = arith.constant 1.000000e+00 : f32
    %sub3A_20 = vector.broadcast %sub3A : f32 to vector<4096x1xf32>
    %sub3A_21 = arith.subf %sub3A_20, %get3A_15 : vector<4096x1xf32>
    %sub3A_22 = arith.constant 1.000000e+00 : f32
    %sub3A_23 = vector.broadcast %sub3A_22 : f32 to vector<4096x1xf32>
    %sub3A_24 = arith.subf %sub3A_23, %min3A_18 : vector<4096x1xf32>
    %log3A_25 = math.log %sub3A_24 : vector<4096x1xf32>
    %mul3A_26 = arith.mulf %sub3A_21, %log3A_25 : vector<4096x1xf32>
    %add3A = arith.addf %mul3A_19, %mul3A_26 : vector<4096x1xf32>
    %reduce_sum3A_27 = vector.shape_cast %add3A : vector<4096x1xf32> to vector<1x4096x1xf32>
    %reduce_sum3A_28 = arith.constant dense<0.000000e+00> : vector<1xf32>
    %reduce_sum3A_29 = vector.multi_reduction <add>, %reduce_sum3A_27, %reduce_sum3A_28 [1, 2] : vector<1x4096x1xf32> to vector<1xf32>
    %reduce_sum3A_30 = vector.shape_cast %reduce_sum3A_29 : vector<1xf32> to vector<1x1x1xf32>
    %reduce_sum3A_31 = vector.extract %reduce_sum3A_30[0, 0, 0] : f32 from vector<1x1x1xf32>
    %broadcast_in_dim3A_32 = vector.broadcast %reduce_sum3A_31 : f32 to vector<1x1xf32>
    %neg3A = arith.constant 0.000000e+00 : f32
    %neg3A_33 = vector.broadcast %neg3A : f32 to vector<1x1xf32>
    %neg3A_34 = arith.subf %neg3A_33, %broadcast_in_dim3A_32 : vector<1x1xf32>
    %mul3A_35 = arith.constant 2.44140625E-4 : f32
    %mul3A_36 = vector.broadcast %mul3A_35 : f32 to vector<1x1xf32>
    %mul3A_37 = arith.mulf %neg3A_34, %mul3A_36 : vector<1x1xf32>
    %swap3A_38 = arith.constant 0 : index
    %swap3A_39 = arith.constant 0 : index
    %swap3A_40 = vector.load %arg4[%swap3A_38, %swap3A_39] : memref<1x1xf32, #tpu.memory_space<vmem>>, vector<1x1xf32>
    tpu.vector_store %arg4[%swap3A_38, %swap3A_39], %mul3A_37 {strides = array<i32>} : memref<1x1xf32, #tpu.memory_space<vmem>>, vector<1x1xf32>,
    return
  }
}

</mosaic_0001>

<sc_bundles>
// kernel: kernel.4.cloned.1.call-start
scs
__scs_entry_jumppad:
0x0: {  	(pc) =	sbr.rel $0x88, $3  }
0x1: {  	(tag) =	ssettag $0x0;
	lr =	simm.s32 $0x1  }
0x2: {  	[smem:$0x3F9D] =	sst lr;
	_ =	strace $0xD0000000  }
0x3: {  	_ = 	snop  }
0x4: {  	_ = 	snop  }
0x5: {  	_ = 	snop  }
0x6: {  	_ = 	snop  }
0x7: {  	_ = 	snop  }
__scs_overlays_trampoline_lowered:
0x8: {  	[smem:$0x3FAC] =	sst s0  }
0x9: {  	[smem:$0x3FAD] =	sst s1  }
0xa: {  	[smem:$0x3FAE] =	sst s2  }
0xb: {  	[smem:$0x3FAF] =	sst s3  }
0xc: {  	[smem:$0x3FB0] =	sst s4  }
0xd: {  	[smem:$0x3FB1] =	sst s5  }
0xe: {  	[smem:$0x3FB2] =	sst s6  }
0xf: {  	[smem:$0x3FB3] =	sst s7  }
0x10: {  	[smem:$0x3FB4] =	sst s8  }
0x11: {  	[smem:$0x3FB5] =	sst s9;
	s0 =	simm.s32 @!p0 $0x0  }
0x12: {  	s1 =	sld [smem:$0x3F9B];
	s0 =	simm.s32 @p0 $0x1  }
0x13: {  	[smem:$0x3FB6] =	sst s0;
	s0 =	simm.s32 @!p1 $0x0  }
0x14: {  	s2 =	sld [smem:$0x3F9A];
	s0 =	simm.s32 @p1 $0x1  }
0x15: {  	[smem:$0x3FB7] =	sst s0;
	s0 =	simm.s32 @!p2 $0x0  }
0x16: {  	s3 =	sld [smem:$0x3FDB];
	s0 =	simm.s32 @p2 $0x1  }
0x17: {  	s4 =	simm.s32 $0x1BF5;
	[smem:$0x3FB9] =	sst s0  }
0x18: {  	s0 =	sld [smem:$0x3F9C];
	_ =	swait.ge [sflag:s4], $0x0  }
0x19: {  	s7 =	sld [smem:$0x3F9D]  }
0x1a: {  	s8 =	sadd.s32 $0xFFFFE003, lr  }
0x1b: {  	s9 =	sadd.s32 $0xFFFFFEF7, lr;
	s5 =	simm.s32 $0xFFFFFFFF;
	p2 =	slt.u32 s8, $0xFFFFF086  }
0x1c: {  	p1 =	slt.u32 s9, $0xF7A;
	s5 =	simm.s32 @!p2 $0x0  }
0x1d: {  	s5 =	simm.s32 @p1 $0x1;
	p0 =	seq.s32 s7, s2  }
0x1e: {  	s7 =	smul.u32 @!p0 $0xF7A, s2;
	p2 =	seq.s32 @!p0 s5, $0x0  }
0x1f: {  	s9 =	smul.u32 $0xF7A, s1;
	s8 =	simm.s32 @!p0 $0x1BF5;
	p2 =	por !p2, p0  }
0x20: {  	[sflag:s8] =	ssyncset.s32 @!p0 $0xFFFFF086;
	s6 =	sadd.s32 @!p0 s3, s7;
	s7 =	simm.s32 @!p0 $0x108  }
0x21: {  	s3 =	sadd.s32 s3, s9;
	s6 =	sadd.s32 @!p0 $0x88, s6;
	s7 =	simm.s32 @p2 $0x1082  }
0x22: {  	[simem:s7], [sflag:s8] =	dma.local @!p0 [hbm:s6], $0xF7A  }
0x23: {  	s9 =	sor.u32 $0xD0000000, s2;
	s6 =	simm.s32 $0x108;
	_ =	swait.ge @!p0 [sflag:s8], $0x0  }
0x24: {  	s3 =	sadd.s32 $0x88, s3;
	s6 =	simm.s32 @!p1 $0x1082;
	[sflag:s4] =	ssyncset.s32 $0xFFFFF086  }
0x25: {  	[simem:s6], [sflag:s4] =	dma.local [hbm:s3], $0xF7A  }
0x26: {  	[smem:$0x3F9D] =	sst s1;
	(tag) =	ssettag s2;
	_ =	strace s9  }
0x27: {  	s1 =	sld [smem:$0x3FAD]  }
0x28: {  	s2 =	sld [smem:$0x3FAE]  }
0x29: {  	s4 =	sld [smem:$0x3FB0]  }
0x2a: {  	p0 =	seq.s32 s5, $0x0;
	s5 =	sld [smem:$0x3FB1]  }
0x2b: {  	s6 =	sld [smem:$0x3FB2]  }
0x2c: {  	s7 =	sld [smem:$0x3FB3]  }
0x2d: {  	s3 =	simm.s32 $0x108;
	s8 =	sld [smem:$0x3FB4]  }
0x2e: {  	s3 =	simm.s32 @!p0 $0x1082;
	s9 =	sld [smem:$0x3FB5]  }
0x2f: {  	lr =	sadd.s32 s0, s3;
	s0 =	sld [smem:$0x3FAC]  }
0x30: {  	s3 =	sld [smem:$0x3FAF]  }
0x31: {  	[smem:$0x3FB8] =	sst s10  }
0x32: {  	s10 =	sld [smem:$0x3FB6];
	_ =	sdelay $0x3  }
0x33: {  	p0 =	seq.s32 s10, $0x1;
	s10 =	sld [smem:$0x3FB8];
	_ =	sdelay $0x3  }
0x34: {  	[smem:$0x3FB8] =	sst s10  }
0x35: {  	s10 =	sld [smem:$0x3FB7];
	_ =	sdelay $0x3  }
0x36: {  	p1 =	seq.s32 s10, $0x1;
	s10 =	sld [smem:$0x3FB8];
	_ =	sdelay $0x3  }
0x37: {  	[smem:$0x3FB8] =	sst s10  }
0x38: {  	s10 =	sld [smem:$0x3FB9]  }
0x39: {  	_ = 	snop;
	(pc) =	sbr.ind lr, $3  }
0x3a: {  	_ = 	snop  }
0x3b: {  	_ = 	snop  }
0x3c: {  	p2 =	seq.s32 s10, $0x1;
	s10 =	sld [smem:$0x3FB8]  }
0x3d: {  	_ =	shalt  }
0x3e: {  	_ =	shalt  }
0x3f: {  	_ =	shalt  }
0x40: {  	_ =	shalt  }
0x41: {  	_ =	shalt  }
0x42: {  	_ =	shalt  }
0x43: {  	_ =	shalt  }
0x44: {  	_ =	shalt  }
0x45: {  	_ =	shalt  }
0x46: {  	_ =	shalt  }
0x47: {  	_ =	shalt  }
0x48: {  	_ =	shalt  }
0x49: {  	_ =	shalt  }
0x4a: {  	_ =	shalt  }
0x4b: {  	_ =	shalt  }
0x4c: {  	_ =	shalt  }
0x4d: {  	_ =	shalt  }
0x4e: {  	_ =	shalt  }
0x4f: {  	_ =	shalt  }
0x50: {  	_ =	shalt  }
0x51: {  	_ =	shalt  }
0x52: {  	_ =	shalt  }
0x53: {  	_ =	shalt  }
0x54: {  	_ =	shalt  }
0x55: {  	_ =	shalt  }
0x56: {  	_ =	shalt  }
0x57: {  	_ =	shalt  }
0x58: {  	_ =	shalt  }
0x59: {  	_ =	shalt  }
0x5a: {  	_ =	shalt  }
0x5b: {  	_ =	shalt  }
0x5c: {  	_ =	shalt  }
0x5d: {  	_ =	shalt  }
0x5e: {  	_ =	shalt  }
0x5f: {  	_ =	shalt  }
0x60: {  	_ =	shalt  }
0x61: {  	_ =	shalt  }
0x62: {  	_ =	shalt  }
0x63: {  	_ =	shalt  }
0x64: {  	_ =	shalt  }
0x65: {  	_ =	shalt  }
0x66: {  	_ =	shalt  }
0x67: {  	_ =	shalt  }
0x68: {  	_ =	shalt  }
0x69: {  	_ =	shalt  }
0x6a: {  	_ =	shalt  }
0x6b: {  	_ =	shalt  }
0x6c: {  	_ =	shalt  }
0x6d: {  	_ =	shalt  }
0x6e: {  	_ =	shalt  }
0x6f: {  	_ =	shalt  }
0x70: {  	_ =	shalt  }
0x71: {  	_ =	shalt  }
0x72: {  	_ =	shalt  }
0x73: {  	_ =	shalt  }
0x74: {  	_ =	shalt  }
0x75: {  	_ =	shalt  }
0x76: {  	_ =	shalt  }
0x77: {  	_ =	shalt  }
0x78: {  	_ =	shalt  }
0x79: {  	_ =	shalt  }
0x7a: {  	_ =	shalt  }
0x7b: {  	_ =	shalt  }
0x7c: {  	_ =	shalt  }
0x7d: {  	_ =	shalt  }
0x7e: {  	_ =	shalt  }
0x7f: {  	_ =	shalt  }
0x80: {  	_ =	shalt  }
0x81: {  	_ =	shalt  }
0x82: {  	_ =	shalt  }
0x83: {  	_ =	shalt  }
0x84: {  	_ =	shalt  }
0x85: {  	_ =	shalt  }
0x86: {  	_ =	shalt  }
0x87: {  	_ =	shalt  }
.Lfunc_end0:
.L_simem_size_0:
called_computation_lowered:
.L_overlay_start_0:
0x88: {  	s2 =	sld [smem:$0x3FD9]  }
0x89: {  	s3 =	sld [smem:$0x3FFE];
	_ =	sdelay $0x1  }
0x8a: {  	s1 =	srdreg.scid  }
0x8b: {  	s0 =	sand.u32 $0x1, s1  }
0x8c: {  	s17 =	sshll.u32 s0, $0xA;
	s2 =	sadd.s32 s3, s2  }
0x8d: {  	s2 =	sadd.s32 s2, s17  }
0x8e: {  	[smem:$0x3FC4] =	sst s2  }
0x8f: {  	_ = 	snop  }
0x90: {  	s2 =	sld [smem:$0x3FC9]  }
0x91: {  	s18 =	sld [smem:$0x3FC8];
	(tm) =	ssettm $0x1  }
0x92: {  	s4 =	sld [smem:$0x3FFB];
	_ =	sdelay $0x3  }
0x93: {  	_ =	strace s4  }
0x94: {  	s4 =	sld [smem:$0x3FFC];
	_ =	sdelay $0x3  }
0x95: {  	_ =	strace s4  }
0x96: {  	s4 =	sld [smem:$0x3FFD];
	_ =	sdelay $0x3  }
0x97: {  	_ =	strace s4  }
0x98: {  	_ =	strace $0x8FFFFFFF  }
0x99: {  	s19 =	sld [smem:$0x3FDB];
	_ =	sdelay $0x1  }
0x9a: {  	s5 =	simm.s32 $_scs_section_size  }
0x9b: {  	s6 =	simm.s32 $_size__tile_overlayer_lowered;
	s7 =	simm.s32 $_tile_overlayer_lowered  }
0x9c: {  	s22 =	simm.s32 $0x1BFF;
	s21 =	sshll.u32 s7, $0x1;
	s4 =	sadd.s32 s5, s19  }
0x9d: {  	s8 =	simm.s32 $0x0;
	s20 =	sshll.u32 s6, $0x1;
	s6 =	sadd.s32 s21, s4  }
0x9e: {  	[timem:s8], [sflag:s22] =	dma.local [hbm:s6], s20  }
0x9f: {  	_ =	swait.ge [sflag:s22], s20  }
0xa0: {  	s5 =	ssub.s32 $0x0, s20;
	[sflag:s22] =	ssyncset.done $0x0  }
0xa1: {  	[sflag:s22] =	ssyncadd.s32 s5;
	_ =	sdelay $0x1  }
0xa2: {  	s23 =	simm.s32 $0x1B8B  }
0xa3: {  	_ =	swait.ge [sflag:s23], $0x1  }
0xa4: {  	[sflag:s23] =	ssyncset.done $0x0  }
0xa5: {  	s25 =	simm.s32 $0x1B8E;
	s24 =	sld [smem:$0x3FFE];
	[sflag:s23] =	ssyncadd.s32 $0xFFFFFFFF  }
0xa6: {  	s26 =	simm.s32 $execute0_lowered;
	[smem:$0x3FD2] =	sst s25  }
0xa7: {  	s6 =	sshll.u32 s26, $0x1;
	_ =	strace $0x80000046;
	[dreg:$0x1] =	wrdreg $0xFFFFFFFF  }
0xa8: {  	s28 =	simm.s32 $_size_execute0_lowered;
	s4 =	sadd.s32 s4, s6;
	[dreg:$0x0] =	wrdreg $0x0  }
0xa9: {  	s6 =	sshll.u32 s28, $0x1;
	[dreg:$0x2] =	wrdreg s4  }
0xaa: {  	[dreg:$0x3] =	wrdreg s6  }
0xab: {  	[dreg:$0x4] =	wrdreg $0xC0  }
0xac: {  	_ =	task [dreg:s8], $0x5FFFF  }
0xad: {  	[dreg:$0x1] =	wrdreg $0xFFFFFFFF  }
0xae: {  	[dreg:$0x0] =	wrdreg $0x60  }
0xaf: {  	[dreg:$0x2] =	wrdreg s2  }
0xb0: {  	[dreg:$0x3] =	wrdreg s24  }
0xb1: {  	[dreg:$0x4] =	wrdreg s18  }
0xb2: {  	[dreg:$0x5] =	wrdreg $0x9  }
0xb3: {  	_ =	task.clear_ibuf [dreg:s8], $0x6FFFF;
	_ =	strace $0x90000046  }
0xb4: {  	s29 =	simm.s32 $0x9;
	_ =	strace $0x80000048  }
0xb5: {  	_ =	swait.ge [sflag:s29], $0x1  }
0xb6: {  	[sflag:s29] =	ssyncadd.s32 $0xFFFFFFFF  }
0xb7: {  	_ =	strace $0x90000048  }
0xb8: {  	_ =	sfence  }
0xb9: {  	s30 =	sld [smem:$0x0];
	_ =	sdelay $0x2  }
0xba: {  	s31 =	sshll.u32 s1, $0xD;
	s1 =	sshrl.u32 s1, $0x2  }
0xbb: {  	s3 =	sand.u32 $0x4000, s31;
	s1 =	sadd.s32 s1, s30  }
0xbc: {  	s0 =	sor.u32 s3, s0;
	s1 =	sshll.u32 s1, $0x11  }
0xbd: {  	s0 =	sor.u32 s1, s0  }
0xbe: {  	s0 =	sadd.s32 $0x8F2B, s0  }
0xbf: {  	[sflag:s0] =	ssyncadd.remote.s32 $0x1  }
0xc0: {  	_ =	sfence.sel $0xFFFF  }
0xc1: {  	[dreg:$0x0] =	wrdreg $0xFFFFFFFF;
	(pc) =	sbr.abs _section_cstart, $3  }
0xc2: {  	[dreg:$0x1] =	wrdreg $0xFFFFFFFF  }
0xc3: {  	_ =	task.clear_ibuf [dreg:s8], $0x2FFFF;
	_ =	strace $0x9FFFFFFF  }
0xc4: {  	(tm) =	ssettm $0x7FFFFFFF  }
0xc5: {  	_ =	shalt  }
tec
execute0_lowered:
.L_overlay_start_1:
0x0: {  	(tag) =	ssettag $0x1  }
0x1: {  	s1 =	rddreg [dreg:$0x0]  }
0x2: {  	s2 =	srdreg.scid;
	s4 =	rddreg [dreg:$0x1]  }
0x3: {  	s0 =	stileid.u32;
	s6 =	rddreg [dreg:$0x2];
	s3 =	simm.s32 $0x0  }
0x4: {  	s11 =	simm.s32 $0x80;
	s12 =	simm.s32 $0x16C80;
	s13 =	simm.s32 $0x3  }
0x5: {  	s14 =	simm.s32 $0x6400;
	s15 =	simm.s32 $0x48;
	s16 =	simm.s32 $0xA400  }
0x6: {  	s17 =	simm.s32 $0xC800;
	s18 =	simm.s32 $0x10800;
	s19 =	simm.s32 $0x1  }
0x7: {  	s20 =	simm.s32 $0x2;
	s21 =	simm.s32 $0x12C00;
	s22 =	simm.s32 $0x0  }
0x8: {  	s5 =	sand.u32 $0x1, s2;
	s31 =	sshll.u32 s0, $0x1;
	[smem:$0x7FF] =	sst s3  }
0x9: {  	s2 =	rddreg [dreg:$0x3];
	s7 =	sor.u32 s5, s31;
	_ =	strace $0x80000047  }
0xa: {  	s5 =	ssub.s32 $0x2, s5;
	s8 =	smul.u32 $0xC80, s7;
	s9 =	sshll.u32 s7, $0xB  }
0xb: {  	s10 =	sshrl.u32 s5, $0x1;
	s7 =	sshll.u32 s7, $0x4;
	s9 =	sadd.s32 s9, s4  }
0xc: {  	s10 =	ssub.s32 s5, s10;
	s8 =	sadd.s32 s8, s4;
	s4 =	sadd.s32 s6, s7  }
0xd: {  	s5 =	sadd.s32 $0x2A000, s9;
	s7 =	sadd.s32 $0x1A000, s9;
	s9 =	simm.s32 $0x16C00  }
0xe: {  	s6 =	sadd.s32 $0x1000, s8;
	s8 =	smax.u32 s10, $0x1;
	s10 =	simm.s32 $0x4  }
.LBB2_1:
0xf: {  	[tilespmem:s9], [sflag:$0x4] =	stream.linear.gather [hbm4b:s4+s3], $0x80, $0x38;
	[tilespmem:$0x1AC80] =	vst v63  }
0x10: {  	_ =	swait.ge [sflag:s10], $0x80  }
0x11: {  	[sflag:s10] =	ssyncset.done $0x0  }
0x12: {  	[sflag:s10] =	ssyncadd.s32 $0xFFFFFF80  }
0x13: {  	[tilespmem:s12], [sflag:$0x3] =	stream.indirect.gather [hbm4b:s1+s11], $0x80, s9, s11, $0xb8;
	[tilespmem:$0x1AC80] =	vst v63  }
0x14: {  	_ =	swait.ge [sflag:s13], $0x4000  }
0x15: {  	[sflag:s13] =	ssyncset.done $0x0  }
0x16: {  	[sflag:s13] =	ssyncadd.s32 $0xFFFFC000  }
0x17: {  	[hbm4b:s5+s3] =	stream.linear.scatter [tilespmem:s12], [sflag:$0x4], $0x4000, $0x38;
	[tilespmem:$0x1AC80] =	vst v63  }
0x18: {  	_ =	swait.ge [sflag:s10], $0x4000  }
0x19: {  	[sflag:s10] =	ssyncset.done $0x0  }
0x1a: {  	[sflag:s10] =	ssyncadd.s32 $0xFFFFC000  }
0x1b: {  	[tilespmem:s3], [sflag:$0x4] =	stream.linear.gather [hbm4b:s6+s3], $0x6400, $0x38;
	[tilespmem:$0x1AC80] =	vst v63  }
0x1c: {  	_ =	swait.ge [sflag:s10], $0x6400  }
0x1d: {  	[sflag:s10] =	ssyncset.done $0x0  }
0x1e: {  	[sflag:s10] =	ssyncadd.s32 $0xFFFF9C00  }
0x1f: {  	[tilespmem:s14], [sflag:$0x1] =	stream.indirect.gather [hbm4b:s1+s11], $0x80, s3, s11, $0xb8;
	[tilespmem:$0x1AC80] =	vst v63  }
0x20: {  	s23 =	simm.s32 $0x0  }
0x21: {  	[tilespmem:s16], [sflag:$0x1] =	stream.indirect.gather [hbm4b:s1+s15], $0x80, s11, s15, $0xb8;
	[tilespmem:$0x1AC80] =	vst v63  }
.LBB2_2:
0x22: {  	s24 =	sshllo.u32 s23, $0x1  }
0x23: {  	s25 =	smul.u32 $0x320, s24;
	_ =	sdelay $0x1  }
0x24: {  	s25 =	sshra.s32 s25, $0x2  }
0x25: {  	[tilespmem:s17], [sflag:$0x2] =	stream.indirect.gather [hbm4b:s1+s11], $0x80, s25, s11, $0xb8;
	[tilespmem:$0x1AC80] =	vst v63  }
0x26: {  	s25 =	sadd.s32 $0x80, s25  }
0x27: {  	[tilespmem:s18], [sflag:$0x2] =	stream.indirect.gather [hbm4b:s1+s15], $0x80, s25, s15, $0xb8;
	[tilespmem:$0x1AC80] =	vst v63  }
0x28: {  	_ =	swait.ge [sflag:s19], $0x4000  }
0x29: {  	[sflag:s19] =	ssyncset.done $0x0  }
0x2a: {  	[sflag:s19] =	ssyncadd.s32 $0xFFFFC000  }
0x2b: {  	_ =	swait.ge [sflag:s19], $0x2400  }
0x2c: {  	[sflag:s19] =	ssyncset.done $0x0  }
0x2d: {  	s25 =	simm.s32 $0x0;
	[sflag:s19] =	ssyncadd.s32 $0xFFFFDC00  }
0x2e: {  	v6 =	vld [tilespmem:s25+$0x6580]  }
0x2f: {  	v11 =	vld [tilespmem:s25+$0x6590]  }
0x30: {  	v12 =	vld [tilespmem:s25+$0x65A0]  }
0x31: {  	v13 =	vld [tilespmem:s25+$0x65B0]  }
0x32: {  	v2 =	vld [tilespmem:s25+$0x65C0]  }
0x33: {  	v3 =	vld [tilespmem:s25+$0x65D0]  }
0x34: {  	v22 =	vld [tilespmem:s25+$0x6500]  }
0x35: {  	v24 =	vld [tilespmem:s25+$0x6510]  }
0x36: {  	v9 =	vld [tilespmem:s25+$0x6520]  }
0x37: {  	v23 =	vld [tilespmem:s25+$0x6530]  }
0x38: {  	v4 =	vld [tilespmem:s25+$0x6540]  }
0x39: {  	v0 =	vld [tilespmem:s25+$0x6480]  }
0x3a: {  	v1 =	vld [tilespmem:s25+$0x6490]  }
0x3b: {  	v5 =	vld [tilespmem:s25+$0x6400]  }
0x3c: {  	v7 =	vld [tilespmem:s25+$0x6410]  }
0x3d: {  	v8 =	vld [tilespmem:s25+$0x6420]  }
0x3e: {  	v10 =	vld [tilespmem:s25+$0x6430]  }
0x3f: {  	v16 =	vld [tilespmem:s25+$0x64A0]  }
0x40: {  	v17 =	vld [tilespmem:s25+$0x64B0]  }
0x41: {  	v15 =	vimm.f32 $0.0e+00;
	v14 =	vld [tilespmem:s25+$0x6550]  }
0x42: {  	v25 =	vld [tilespmem:s25+$0x64C0];
	v5 =	vadd.f32 v5, v15  }
0x43: {  	v26 =	vld [tilespmem:s25+$0x64D0];
	v7 =	vadd.f32 v7, v15;
	v8 =	vadd.f32 v8, v15  }
0x44: {  	v27 =	vld [tilespmem:s25+$0x6440];
	v10 =	vadd.f32 v10, v15;
	v30 =	vadd.f32 v0, v5  }
0x45: {  	v18 =	vimm.f32 $0.0e+00;
	v28 =	vld [tilespmem:s25+$0x6450];
	v31 =	vadd.f32 v1, v7;
	v32 =	vadd.f32 v16, v8  }
0x46: {  	s26 =	simm.s32 $0x800;
	v29 =	vld [tilespmem:s25+$0x6460];
	v33 =	vadd.f32 v17, v10;
	v16 =	vimm.f32 $0.0e+00;
	v17 =	vimm.f32 $0.0e+00  }
.LBB2_3:
0x47: {  	p0 =	sne.s32 s26, $0xF800;
	v0 =	vld [tilespmem:s25+$0x6470];
	v1 =	vadd.f32 v22, v30;
	v5 =	vadd.f32 v24, v31  }
0x48: {  	v7 =	vld [tilespmem:s25+$0x64E0];
	v8 =	vadd.f32 v9, v32;
	v9 =	vadd.f32 v23, v33  }
0x49: {  	v10 =	vld [tilespmem:s25+$0x64F0];
	v1 =	vadd.f32 v6, v1;
	v5 =	vadd.f32 v11, v5  }
0x4a: {  	v19 =	vld [tilespmem:s25+$0x6560];
	v8 =	vadd.f32 v12, v8;
	v20 =	vadd.f32 v13, v9  }
0x4b: {  	v6 =	vadd.f32 v27, v15;
	v9 =	vadd.f32 v28, v18;
	v13 =	vld [tilespmem:s25+$0x6570]  }
0x4c: {  	v11 =	vadd.f32 v29, v16;
	v0 =	vadd.f32 v0, v17;
	v16 =	vld [tilespmem:s25+$0x65E0]  }
0x4d: {  	v12 =	vadd.f32 v25, v6;
	v9 =	vadd.f32 v26, v9;
	v17 =	vld [tilespmem:s25+$0x65F0];
	s25 =	sshra.s32 s26, $0x2  }
0x4e: {  	v7 =	vadd.f32 v7, v11;
	v6 =	vld [tilespmem:s25+$0x6580];
	v0 =	vadd.f32 v10, v0  }
0x4f: {  	v4 =	vadd.f32 v4, v12;
	v9 =	vadd.f32 v14, v9;
	v11 =	vld [tilespmem:s25+$0x6590]  }
0x50: {  	v7 =	vadd.f32 v19, v7;
	v12 =	vld [tilespmem:s25+$0x65A0];
	v0 =	vadd.f32 v13, v0  }
0x51: {  	v15 =	vadd.f32 v2, v4;
	v18 =	vadd.f32 v3, v9;
	v13 =	vld [tilespmem:s25+$0x65B0]  }
0x52: {  	v16 =	vadd.f32 v16, v7;
	v2 =	vld [tilespmem:s25+$0x65C0];
	v17 =	vadd.f32 v17, v0  }
0x53: {  	v3 =	vld [tilespmem:s25+$0x65D0]  }
0x54: {  	v22 =	vld [tilespmem:s25+$0x6500]  }
0x55: {  	v24 =	vld [tilespmem:s25+$0x6510]  }
0x56: {  	v9 =	vld [tilespmem:s25+$0x6520]  }
0x57: {  	v23 =	vld [tilespmem:s25+$0x6530]  }
0x58: {  	v4 =	vld [tilespmem:s25+$0x6540]  }
0x59: {  	v14 =	vld [tilespmem:s25+$0x6550]  }
0x5a: {  	v0 =	vld [tilespmem:s25+$0x6480]  }
0x5b: {  	v7 =	vld [tilespmem:s25+$0x6490]  }
0x5c: {  	v10 =	vld [tilespmem:s25+$0x6400]  }
0x5d: {  	v19 =	vld [tilespmem:s25+$0x6410]  }
0x5e: {  	v21 =	vld [tilespmem:s25+$0x6420]  }
0x5f: {  	v27 =	vld [tilespmem:s25+$0x6430]  }
0x60: {  	v32 =	vld [tilespmem:s25+$0x64A0]  }
0x61: {  	v33 =	vld [tilespmem:s25+$0x64B0]  }
.Ltmp0:
0x62: {  	v25 =	vld [tilespmem:s25+$0x64C0];
	(pc) =	sbr.rel @p0 .LBB2_3-.Ltmp0, $4  }
0x63: {  	v1 =	vadd.f32 v10, v1;
	v5 =	vadd.f32 v19, v5;
	v26 =	vld [tilespmem:s25+$0x64D0]  }
0x64: {  	v8 =	vadd.f32 v21, v8;
	v10 =	vadd.f32 v27, v20;
	v27 =	vld [tilespmem:s25+$0x6440]  }
0x65: {  	v30 =	vadd.f32 v0, v1;
	v31 =	vadd.f32 v7, v5;
	v28 =	vld [tilespmem:s25+$0x6450]  }
0x66: {  	s26 =	sadd.s32 $0x800, s26;
	v32 =	vadd.f32 v32, v8;
	v29 =	vld [tilespmem:s25+$0x6460];
	v33 =	vadd.f32 v33, v10  }
0x67: {  	v34 =	vld [tilespmem:s25+$0x6470]  }
0x68: {  	v35 =	vld [tilespmem:s25+$0x64E0]  }
0x69: {  	v36 =	vld [tilespmem:s25+$0x64F0]  }
0x6a: {  	v37 =	vld [tilespmem:s25+$0x6560]  }
0x6b: {  	v38 =	vld [tilespmem:s25+$0x6570]  }
0x6c: {  	v39 =	vld [tilespmem:s25+$0x65E0]  }
0x6d: {  	v40 =	vld [tilespmem:s25+$0x65F0];
	s25 =	simm.s32 $0x0  }
0x6e: {  	v5 =	vld [tilespmem:s25+$0xA580]  }
0x6f: {  	v7 =	vld [tilespmem:s25+$0xA590]  }
0x70: {  	v8 =	vld [tilespmem:s25+$0xA5A0]  }
0x71: {  	v10 =	vld [tilespmem:s25+$0xA5B0]  }
0x72: {  	v0 =	vld [tilespmem:s25+$0xA5C0]  }
0x73: {  	v1 =	vld [tilespmem:s25+$0xA5D0]  }
0x74: {  	v20 =	vld [tilespmem:s25+$0xA500]  }
0x75: {  	v21 =	vld [tilespmem:s25+$0xA510]  }
0x76: {  	v19 =	vld [tilespmem:s25+$0xA520]  }
0x77: {  	v30 =	vadd.f32 v22, v30;
	v24 =	vadd.f32 v24, v31;
	v22 =	vld [tilespmem:s25+$0xA530]  }
0x78: {  	v61 =	vadd.f32 v9, v32;
	v23 =	vadd.f32 v23, v33;
	v9 =	vld [tilespmem:s25+$0xA540]  }
0x79: {  	v62 =	vld [tilespmem:s25+$0xA480];
	v30 =	vadd.f32 v6, v30;
	v24 =	vadd.f32 v11, v24  }
0x7a: {  	v6 =	vld [tilespmem:s25+$0xA550];
	v11 =	vadd.f32 v27, v15;
	v31 =	vadd.f32 v12, v61  }
0x7b: {  	v27 =	vld [tilespmem:s25+$0xA4B0];
	v23 =	vadd.f32 v13, v23;
	v12 =	vadd.f32 v28, v18  }
0x7c: {  	v13 =	vadd.f32 v29, v16;
	v16 =	vld [tilespmem:s25+$0xA400];
	v11 =	vadd.f32 v25, v11  }
0x7d: {  	v25 =	vld [tilespmem:s25+$0xA420];
	v15 =	vadd.f32 v34, v17;
	v12 =	vadd.f32 v26, v12  }
0x7e: {  	v17 =	vld [tilespmem:s25+$0xA410];
	v13 =	vadd.f32 v35, v13;
	v4 =	vadd.f32 v4, v11  }
0x7f: {  	v15 =	vadd.f32 v36, v15;
	v12 =	vadd.f32 v14, v12;
	v14 =	vld [tilespmem:s25+$0xA430]  }
0x80: {  	v18 =	vld [tilespmem:s25+$0xA490];
	v13 =	vadd.f32 v37, v13;
	v11 =	vadd.f32 v2, v4  }
0x81: {  	v26 =	vld [tilespmem:s25+$0xA4A0];
	v15 =	vadd.f32 v38, v15;
	v3 =	vadd.f32 v3, v12  }
0x82: {  	v12 =	vld [tilespmem:s25+$0xA4C0];
	v16 =	vadd.f32 v16, v30;
	v25 =	vadd.f32 v25, v31  }
0x83: {  	v4 =	vadd.f32 v39, v13;
	v24 =	vadd.f32 v17, v24;
	v13 =	vld [tilespmem:s25+$0xA4D0]  }
0x84: {  	v2 =	vadd.f32 v40, v15;
	v15 =	vld [tilespmem:s25+$0xA440];
	v63 =	vadd.f32 v14, v23  }
0x85: {  	v17 =	vadd.f32 v62, v16;
	v16 =	vld [tilespmem:s25+$0xA460];
	v18 =	vadd.f32 v18, v24  }
0x86: {  	s26 =	simm.s32 $0x800;
	v14 =	vld [tilespmem:s25+$0xA450];
	v23 =	vadd.f32 v26, v25;
	v24 =	vadd.f32 v27, v63  }
.LBB2_5:
0x87: {  	p0 =	sne.s32 s26, $0x8800;
	v25 =	vld [tilespmem:s25+$0xA470];
	v17 =	vadd.f32 v20, v17;
	v18 =	vadd.f32 v21, v18  }
0x88: {  	v20 =	vld [tilespmem:s25+$0xA4E0];
	v19 =	vadd.f32 v19, v23;
	v21 =	vadd.f32 v22, v24  }
0x89: {  	v22 =	vld [tilespmem:s25+$0xA4F0];
	v17 =	vadd.f32 v5, v17;
	v18 =	vadd.f32 v7, v18  }
0x8a: {  	v23 =	vld [tilespmem:s25+$0xA560];
	v24 =	vadd.f32 v8, v19;
	v26 =	vadd.f32 v10, v21  }
0x8b: {  	v5 =	vadd.f32 v15, v11;
	v3 =	vadd.f32 v14, v3;
	v10 =	vld [tilespmem:s25+$0xA570]  }
0x8c: {  	v4 =	vadd.f32 v16, v4;
	v2 =	vadd.f32 v25, v2;
	v14 =	vld [tilespmem:s25+$0xA5E0]  }
0x8d: {  	v8 =	vadd.f32 v12, v5;
	v3 =	vadd.f32 v13, v3;
	v12 =	vld [tilespmem:s25+$0xA5F0];
	s25 =	sshra.s32 s26, $0x2  }
0x8e: {  	v4 =	vadd.f32 v20, v4;
	v5 =	vld [tilespmem:s25+$0xA580];
	v2 =	vadd.f32 v22, v2  }
0x8f: {  	v9 =	vadd.f32 v9, v8;
	v3 =	vadd.f32 v6, v3;
	v7 =	vld [tilespmem:s25+$0xA590]  }
0x90: {  	v4 =	vadd.f32 v23, v4;
	v8 =	vld [tilespmem:s25+$0xA5A0];
	v2 =	vadd.f32 v10, v2  }
0x91: {  	v11 =	vadd.f32 v0, v9;
	v3 =	vadd.f32 v1, v3;
	v10 =	vld [tilespmem:s25+$0xA5B0]  }
0x92: {  	v4 =	vadd.f32 v14, v4;
	v0 =	vld [tilespmem:s25+$0xA5C0];
	v2 =	vadd.f32 v12, v2  }
0x93: {  	v1 =	vld [tilespmem:s25+$0xA5D0]  }
0x94: {  	v20 =	vld [tilespmem:s25+$0xA500]  }
0x95: {  	v21 =	vld [tilespmem:s25+$0xA510]  }
0x96: {  	v19 =	vld [tilespmem:s25+$0xA520]  }
0x97: {  	v22 =	vld [tilespmem:s25+$0xA530]  }
0x98: {  	v9 =	vld [tilespmem:s25+$0xA540]  }
0x99: {  	v6 =	vld [tilespmem:s25+$0xA550]  }
0x9a: {  	v16 =	vld [tilespmem:s25+$0xA480]  }
0x9b: {  	v23 =	vld [tilespmem:s25+$0xA490]  }
0x9c: {  	v13 =	vld [tilespmem:s25+$0xA400]  }
0x9d: {  	v14 =	vld [tilespmem:s25+$0xA410]  }
0x9e: {  	v15 =	vld [tilespmem:s25+$0xA420]  }
0x9f: {  	v25 =	vld [tilespmem:s25+$0xA430]  }
0xa0: {  	v27 =	vld [tilespmem:s25+$0xA4A0]  }
0xa1: {  	v28 =	vld [tilespmem:s25+$0xA4B0]  }
.Ltmp1:
0xa2: {  	v12 =	vld [tilespmem:s25+$0xA4C0];
	(pc) =	sbr.rel @p0 .LBB2_5-.Ltmp1, $4  }
0xa3: {  	v17 =	vadd.f32 v13, v17;
	v18 =	vadd.f32 v14, v18;
	v13 =	vld [tilespmem:s25+$0xA4D0]  }
0xa4: {  	v24 =	vadd.f32 v15, v24;
	v25 =	vadd.f32 v25, v26;
	v15 =	vld [tilespmem:s25+$0xA440]  }
0xa5: {  	v17 =	vadd.f32 v16, v17;
	v18 =	vadd.f32 v23, v18;
	v14 =	vld [tilespmem:s25+$0xA450]  }
0xa6: {  	s26 =	sadd.s32 $0x800, s26;
	v23 =	vadd.f32 v27, v24;
	v16 =	vld [tilespmem:s25+$0xA460];
	v24 =	vadd.f32 v28, v25  }
0xa7: {  	v17 =	vadd.f32 v20, v17;
	v18 =	vadd.f32 v21, v18  }
0xa8: {  	v20 =	vld [tilespmem:s25+$0xA470];
	v19 =	vadd.f32 v19, v23;
	v21 =	vadd.f32 v22, v24  }
0xa9: {  	v22 =	vld [tilespmem:s25+$0xA4E0];
	v5 =	vadd.f32 v5, v17;
	v7 =	vadd.f32 v7, v18  }
0xaa: {  	v17 =	vld [tilespmem:s25+$0xA4F0];
	v11 =	vadd.f32 v15, v11;
	v8 =	vadd.f32 v8, v19  }
0xab: {  	v15 =	vld [tilespmem:s25+$0xA560];
	v10 =	vadd.f32 v10, v21;
	v3 =	vadd.f32 v14, v3  }
0xac: {  	v14 =	vld [tilespmem:s25+$0xA570];
	v4 =	vadd.f32 v16, v4;
	v11 =	vadd.f32 v12, v11  }
0xad: {  	s31 =	sshll.u32 s23, $0x8;
	v12 =	vld [tilespmem:s25+$0xA5E0];
	v5 =	vmul.f32 $4.999999890e-03, v5;
	v2 =	vadd.f32 v20, v2;
	v3 =	vadd.f32 v13, v3  }
0xae: {  	v13 =	vld [tilespmem:s25+$0xA5F0];
	s25 =	sand.u32 $0x3FFFFF00, s31;
	v4 =	vadd.f32 v22, v4;
	v9 =	vadd.f32 v9, v11  }
0xaf: {  	[tilespmem:s25+$0x12C00] =	vst v5;
	v5 =	vmul.f32 $4.999999890e-03, v8;
	v2 =	vadd.f32 v17, v2;
	v3 =	vadd.f32 v6, v3  }
0xb0: {  	v6 =	vmul.f32 $4.999999890e-03, v7;
	v4 =	vadd.f32 v15, v4;
	v0 =	vadd.f32 v0, v9  }
0xb1: {  	[tilespmem:s25+$0x12C20] =	vst v5;
	v2 =	vadd.f32 v14, v2;
	v1 =	vadd.f32 v1, v3;
	v3 =	vmul.f32 $4.999999890e-03, v10  }
0xb2: {  	[tilespmem:s25+$0x12C10] =	vst v6;
	v4 =	vadd.f32 v12, v4;
	v0 =	vmul.f32 $4.999999890e-03, v0  }
0xb3: {  	p0 =	seq.s32 s23, $0x3F;
	v2 =	vadd.f32 v13, v2;
	[tilespmem:s25+$0x12C30] =	vst v3;
	v1 =	vmul.f32 $4.999999890e-03, v1  }
0xb4: {  	s26 =	smul.u32 @!p0 $0x640, s23;
	[tilespmem:s25+$0x12C40] =	vst v0;
	v0 =	vmul.f32 $4.999999890e-03, v4  }
0xb5: {  	[tilespmem:s25+$0x12C50] =	vst v1;
	v1 =	vmul.f32 $4.999999890e-03, v2  }
0xb6: {  	s26 =	sshra.s32 @!p0 s26, $0x2;
	[tilespmem:s25+$0x12C60] =	vst v0  }
0xb7: {  	s28 =	simm.s32 @!p0 $0x80;
	s29 =	simm.s32 @!p0 $0x6400;
	[tilespmem:s25+$0x12C70] =	vst v1;
	s25 =	sadd.s32 @!p0 $0x190, s26  }
0xb8: {  	[tilespmem:s29], [sflag:$0x1] =	stream.indirect.gather @!p0 [hbm4b:s1+s28], $0x80, s25, s28, $0xb8;
	[tilespmem:$0x1AC80] =	vst v63  }
0xb9: {  	s25 =	sadd.s32 @!p0 $0x210, s26;
	s26 =	simm.s32 @!p0 $0x48;
	s28 =	simm.s32 @!p0 $0xA400  }
0xba: {  	[tilespmem:s28], [sflag:$0x1] =	stream.indirect.gather @!p0 [hbm4b:s1+s26], $0x80, s25, s26, $0xb8;
	[tilespmem:$0x1AC80] =	vst v63  }
0xbb: {  	_ =	swait.ge [sflag:s20], $0x4000  }
0xbc: {  	[sflag:s20] =	ssyncset.done $0x0  }
0xbd: {  	[sflag:s20] =	ssyncadd.s32 $0xFFFFC000  }
0xbe: {  	_ =	swait.ge [sflag:s20], $0x2400  }
0xbf: {  	[sflag:s20] =	ssyncset.done $0x0  }
0xc0: {  	s25 =	simm.s32 $0x0;
	[sflag:s20] =	ssyncadd.s32 $0xFFFFDC00  }
0xc1: {  	v6 =	vld [tilespmem:s25+$0xC980]  }
0xc2: {  	v11 =	vld [tilespmem:s25+$0xC990]  }
0xc3: {  	v12 =	vld [tilespmem:s25+$0xC9A0]  }
0xc4: {  	v13 =	vld [tilespmem:s25+$0xC9B0]  }
0xc5: {  	v2 =	vld [tilespmem:s25+$0xC9C0]  }
0xc6: {  	v3 =	vld [tilespmem:s25+$0xC9D0]  }
0xc7: {  	v22 =	vld [tilespmem:s25+$0xC900]  }
0xc8: {  	v24 =	vld [tilespmem:s25+$0xC910]  }
0xc9: {  	v9 =	vld [tilespmem:s25+$0xC920]  }
0xca: {  	v23 =	vld [tilespmem:s25+$0xC930]  }
0xcb: {  	v4 =	vld [tilespmem:s25+$0xC940]  }
0xcc: {  	v0 =	vld [tilespmem:s25+$0xC880]  }
0xcd: {  	v1 =	vld [tilespmem:s25+$0xC890]  }
0xce: {  	v5 =	vld [tilespmem:s25+$0xC800]  }
0xcf: {  	v7 =	vld [tilespmem:s25+$0xC810]  }
0xd0: {  	v8 =	vld [tilespmem:s25+$0xC820]  }
0xd1: {  	v10 =	vld [tilespmem:s25+$0xC830]  }
0xd2: {  	v16 =	vld [tilespmem:s25+$0xC8A0]  }
0xd3: {  	v17 =	vld [tilespmem:s25+$0xC8B0]  }
0xd4: {  	v15 =	vimm.f32 $0.0e+00;
	v14 =	vld [tilespmem:s25+$0xC950]  }
0xd5: {  	v25 =	vld [tilespmem:s25+$0xC8C0];
	v5 =	vadd.f32 v5, v15  }
0xd6: {  	v26 =	vld [tilespmem:s25+$0xC8D0];
	v7 =	vadd.f32 v7, v15;
	v8 =	vadd.f32 v8, v15  }
0xd7: {  	v27 =	vld [tilespmem:s25+$0xC840];
	v10 =	vadd.f32 v10, v15;
	v30 =	vadd.f32 v0, v5  }
0xd8: {  	v18 =	vimm.f32 $0.0e+00;
	v28 =	vld [tilespmem:s25+$0xC850];
	v31 =	vadd.f32 v1, v7;
	v32 =	vadd.f32 v16, v8  }
0xd9: {  	s26 =	simm.s32 $0x800;
	v29 =	vld [tilespmem:s25+$0xC860];
	v33 =	vadd.f32 v17, v10;
	v16 =	vimm.f32 $0.0e+00;
	v17 =	vimm.f32 $0.0e+00  }
.LBB2_7:
0xda: {  	p0 =	sne.s32 s26, $0xF800;
	v0 =	vld [tilespmem:s25+$0xC870];
	v1 =	vadd.f32 v22, v30;
	v5 =	vadd.f32 v24, v31  }
0xdb: {  	v7 =	vld [tilespmem:s25+$0xC8E0];
	v8 =	vadd.f32 v9, v32;
	v9 =	vadd.f32 v23, v33  }
0xdc: {  	v10 =	vld [tilespmem:s25+$0xC8F0];
	v1 =	vadd.f32 v6, v1;
	v5 =	vadd.f32 v11, v5  }
0xdd: {  	v19 =	vld [tilespmem:s25+$0xC960];
	v8 =	vadd.f32 v12, v8;
	v20 =	vadd.f32 v13, v9  }
0xde: {  	v6 =	vadd.f32 v27, v15;
	v9 =	vadd.f32 v28, v18;
	v13 =	vld [tilespmem:s25+$0xC970]  }
0xdf: {  	v11 =	vadd.f32 v29, v16;
	v0 =	vadd.f32 v0, v17;
	v16 =	vld [tilespmem:s25+$0xC9E0]  }
0xe0: {  	v12 =	vadd.f32 v25, v6;
	v9 =	vadd.f32 v26, v9;
	v17 =	vld [tilespmem:s25+$0xC9F0];
	s25 =	sshra.s32 s26, $0x2  }
0xe1: {  	v7 =	vadd.f32 v7, v11;
	v6 =	vld [tilespmem:s25+$0xC980];
	v0 =	vadd.f32 v10, v0  }
0xe2: {  	v4 =	vadd.f32 v4, v12;
	v9 =	vadd.f32 v14, v9;
	v11 =	vld [tilespmem:s25+$0xC990]  }
0xe3: {  	v7 =	vadd.f32 v19, v7;
	v12 =	vld [tilespmem:s25+$0xC9A0];
	v0 =	vadd.f32 v13, v0  }
0xe4: {  	v15 =	vadd.f32 v2, v4;
	v18 =	vadd.f32 v3, v9;
	v13 =	vld [tilespmem:s25+$0xC9B0]  }
0xe5: {  	v16 =	vadd.f32 v16, v7;
	v2 =	vld [tilespmem:s25+$0xC9C0];
	v17 =	vadd.f32 v17, v0  }
0xe6: {  	v3 =	vld [tilespmem:s25+$0xC9D0]  }
0xe7: {  	v22 =	vld [tilespmem:s25+$0xC900]  }
0xe8: {  	v24 =	vld [tilespmem:s25+$0xC910]  }
0xe9: {  	v9 =	vld [tilespmem:s25+$0xC920]  }
0xea: {  	v23 =	vld [tilespmem:s25+$0xC930]  }
0xeb: {  	v4 =	vld [tilespmem:s25+$0xC940]  }
0xec: {  	v14 =	vld [tilespmem:s25+$0xC950]  }
0xed: {  	v0 =	vld [tilespmem:s25+$0xC880]  }
0xee: {  	v7 =	vld [tilespmem:s25+$0xC890]  }
0xef: {  	v10 =	vld [tilespmem:s25+$0xC800]  }
0xf0: {  	v19 =	vld [tilespmem:s25+$0xC810]  }
0xf1: {  	v21 =	vld [tilespmem:s25+$0xC820]  }
0xf2: {  	v27 =	vld [tilespmem:s25+$0xC830]  }
0xf3: {  	v32 =	vld [tilespmem:s25+$0xC8A0]  }
0xf4: {  	v33 =	vld [tilespmem:s25+$0xC8B0]  }
.Ltmp2:
0xf5: {  	v25 =	vld [tilespmem:s25+$0xC8C0];
	(pc) =	sbr.rel @p0 .LBB2_7-.Ltmp2, $4  }
0xf6: {  	v1 =	vadd.f32 v10, v1;
	v5 =	vadd.f32 v19, v5;
	v26 =	vld [tilespmem:s25+$0xC8D0]  }
0xf7: {  	v8 =	vadd.f32 v21, v8;
	v10 =	vadd.f32 v27, v20;
	v27 =	vld [tilespmem:s25+$0xC840]  }
0xf8: {  	v30 =	vadd.f32 v0, v1;
	v31 =	vadd.f32 v7, v5;
	v28 =	vld [tilespmem:s25+$0xC850]  }
0xf9: {  	s26 =	sadd.s32 $0x800, s26;
	v32 =	vadd.f32 v32, v8;
	v29 =	vld [tilespmem:s25+$0xC860];
	v33 =	vadd.f32 v33, v10  }
0xfa: {  	v34 =	vld [tilespmem:s25+$0xC870]  }
0xfb: {  	v35 =	vld [tilespmem:s25+$0xC8E0]  }
0xfc: {  	v36 =	vld [tilespmem:s25+$0xC8F0]  }
0xfd: {  	v37 =	vld [tilespmem:s25+$0xC960]  }
0xfe: {  	v38 =	vld [tilespmem:s25+$0xC970]  }
0xff: {  	v39 =	vld [tilespmem:s25+$0xC9E0]  }
0x100: {  	v40 =	vld [tilespmem:s25+$0xC9F0];
	s25 =	simm.s32 $0x0  }
0x101: {  	v5 =	vld [tilespmem:s25+$0x10980]  }
0x102: {  	v7 =	vld [tilespmem:s25+$0x10990]  }
0x103: {  	v8 =	vld [tilespmem:s25+$0x109A0]  }
0x104: {  	v10 =	vld [tilespmem:s25+$0x109B0]  }
0x105: {  	v0 =	vld [tilespmem:s25+$0x109C0]  }
0x106: {  	v1 =	vld [tilespmem:s25+$0x109D0]  }
0x107: {  	v20 =	vld [tilespmem:s25+$0x10900]  }
0x108: {  	v21 =	vld [tilespmem:s25+$0x10910]  }
0x109: {  	v19 =	vld [tilespmem:s25+$0x10920]  }
0x10a: {  	v30 =	vadd.f32 v22, v30;
	v24 =	vadd.f32 v24, v31;
	v22 =	vld [tilespmem:s25+$0x10930]  }
0x10b: {  	v61 =	vadd.f32 v9, v32;
	v23 =	vadd.f32 v23, v33;
	v9 =	vld [tilespmem:s25+$0x10940]  }
0x10c: {  	v62 =	vld [tilespmem:s25+$0x10880];
	v30 =	vadd.f32 v6, v30;
	v24 =	vadd.f32 v11, v24  }
0x10d: {  	v6 =	vld [tilespmem:s25+$0x10950];
	v11 =	vadd.f32 v27, v15;
	v31 =	vadd.f32 v12, v61  }
0x10e: {  	v27 =	vld [tilespmem:s25+$0x108B0];
	v23 =	vadd.f32 v13, v23;
	v12 =	vadd.f32 v28, v18  }
0x10f: {  	v13 =	vadd.f32 v29, v16;
	v16 =	vld [tilespmem:s25+$0x10800];
	v11 =	vadd.f32 v25, v11  }
0x110: {  	v25 =	vld [tilespmem:s25+$0x10820];
	v15 =	vadd.f32 v34, v17;
	v12 =	vadd.f32 v26, v12  }
0x111: {  	v17 =	vld [tilespmem:s25+$0x10810];
	v13 =	vadd.f32 v35, v13;
	v4 =	vadd.f32 v4, v11  }
0x112: {  	v15 =	vadd.f32 v36, v15;
	v12 =	vadd.f32 v14, v12;
	v14 =	vld [tilespmem:s25+$0x10830]  }
0x113: {  	v18 =	vld [tilespmem:s25+$0x10890];
	v13 =	vadd.f32 v37, v13;
	v11 =	vadd.f32 v2, v4  }
0x114: {  	v26 =	vld [tilespmem:s25+$0x108A0];
	v15 =	vadd.f32 v38, v15;
	v3 =	vadd.f32 v3, v12  }
0x115: {  	v12 =	vld [tilespmem:s25+$0x108C0];
	v16 =	vadd.f32 v16, v30;
	v25 =	vadd.f32 v25, v31  }
0x116: {  	v4 =	vadd.f32 v39, v13;
	v24 =	vadd.f32 v17, v24;
	v13 =	vld [tilespmem:s25+$0x108D0]  }
0x117: {  	v2 =	vadd.f32 v40, v15;
	v15 =	vld [tilespmem:s25+$0x10840];
	v63 =	vadd.f32 v14, v23  }
0x118: {  	v17 =	vadd.f32 v62, v16;
	v16 =	vld [tilespmem:s25+$0x10860];
	v18 =	vadd.f32 v18, v24  }
0x119: {  	s26 =	simm.s32 $0x800;
	v14 =	vld [tilespmem:s25+$0x10850];
	v23 =	vadd.f32 v26, v25;
	v24 =	vadd.f32 v27, v63  }
.LBB2_9:
0x11a: {  	p0 =	sne.s32 s26, $0x8800;
	v25 =	vld [tilespmem:s25+$0x10870];
	v17 =	vadd.f32 v20, v17;
	v18 =	vadd.f32 v21, v18  }
0x11b: {  	v20 =	vld [tilespmem:s25+$0x108E0];
	v19 =	vadd.f32 v19, v23;
	v21 =	vadd.f32 v22, v24  }
0x11c: {  	v22 =	vld [tilespmem:s25+$0x108F0];
	v17 =	vadd.f32 v5, v17;
	v18 =	vadd.f32 v7, v18  }
0x11d: {  	v23 =	vld [tilespmem:s25+$0x10960];
	v24 =	vadd.f32 v8, v19;
	v26 =	vadd.f32 v10, v21  }
0x11e: {  	v5 =	vadd.f32 v15, v11;
	v3 =	vadd.f32 v14, v3;
	v10 =	vld [tilespmem:s25+$0x10970]  }
0x11f: {  	v4 =	vadd.f32 v16, v4;
	v2 =	vadd.f32 v25, v2;
	v14 =	vld [tilespmem:s25+$0x109E0]  }
0x120: {  	v8 =	vadd.f32 v12, v5;
	v3 =	vadd.f32 v13, v3;
	v12 =	vld [tilespmem:s25+$0x109F0];
	s25 =	sshra.s32 s26, $0x2  }
0x121: {  	v4 =	vadd.f32 v20, v4;
	v5 =	vld [tilespmem:s25+$0x10980];
	v2 =	vadd.f32 v22, v2  }
0x122: {  	v9 =	vadd.f32 v9, v8;
	v3 =	vadd.f32 v6, v3;
	v7 =	vld [tilespmem:s25+$0x10990]  }
0x123: {  	v4 =	vadd.f32 v23, v4;
	v8 =	vld [tilespmem:s25+$0x109A0];
	v2 =	vadd.f32 v10, v2  }
0x124: {  	v11 =	vadd.f32 v0, v9;
	v3 =	vadd.f32 v1, v3;
	v10 =	vld [tilespmem:s25+$0x109B0]  }
0x125: {  	v4 =	vadd.f32 v14, v4;
	v0 =	vld [tilespmem:s25+$0x109C0];
	v2 =	vadd.f32 v12, v2  }
0x126: {  	v1 =	vld [tilespmem:s25+$0x109D0]  }
0x127: {  	v20 =	vld [tilespmem:s25+$0x10900]  }
0x128: {  	v21 =	vld [tilespmem:s25+$0x10910]  }
0x129: {  	v19 =	vld [tilespmem:s25+$0x10920]  }
0x12a: {  	v22 =	vld [tilespmem:s25+$0x10930]  }
0x12b: {  	v9 =	vld [tilespmem:s25+$0x10940]  }
0x12c: {  	v6 =	vld [tilespmem:s25+$0x10950]  }
0x12d: {  	v16 =	vld [tilespmem:s25+$0x10880]  }
0x12e: {  	v23 =	vld [tilespmem:s25+$0x10890]  }
0x12f: {  	v13 =	vld [tilespmem:s25+$0x10800]  }
0x130: {  	v14 =	vld [tilespmem:s25+$0x10810]  }
0x131: {  	v15 =	vld [tilespmem:s25+$0x10820]  }
0x132: {  	v25 =	vld [tilespmem:s25+$0x10830]  }
0x133: {  	v27 =	vld [tilespmem:s25+$0x108A0]  }
0x134: {  	v28 =	vld [tilespmem:s25+$0x108B0]  }
.Ltmp3:
0x135: {  	v12 =	vld [tilespmem:s25+$0x108C0];
	(pc) =	sbr.rel @p0 .LBB2_9-.Ltmp3, $4  }
0x136: {  	v17 =	vadd.f32 v13, v17;
	v18 =	vadd.f32 v14, v18;
	v13 =	vld [tilespmem:s25+$0x108D0]  }
0x137: {  	v24 =	vadd.f32 v15, v24;
	v25 =	vadd.f32 v25, v26;
	v15 =	vld [tilespmem:s25+$0x10840]  }
0x138: {  	v17 =	vadd.f32 v16, v17;
	v18 =	vadd.f32 v23, v18;
	v14 =	vld [tilespmem:s25+$0x10850]  }
0x139: {  	s26 =	sadd.s32 $0x800, s26;
	v23 =	vadd.f32 v27, v24;
	v16 =	vld [tilespmem:s25+$0x10860];
	v24 =	vadd.f32 v28, v25  }
0x13a: {  	v17 =	vadd.f32 v20, v17;
	v18 =	vadd.f32 v21, v18  }
0x13b: {  	v51 =	vld [tilespmem:s25+$0x10870];
	v19 =	vadd.f32 v19, v23;
	v52 =	vadd.f32 v22, v24  }
0x13c: {  	v53 =	vld [tilespmem:s25+$0x108E0];
	v5 =	vadd.f32 v5, v17;
	v7 =	vadd.f32 v7, v18  }
0x13d: {  	v54 =	vld [tilespmem:s25+$0x108F0];
	v11 =	vadd.f32 v15, v11;
	v8 =	vadd.f32 v8, v19  }
0x13e: {  	v55 =	vld [tilespmem:s25+$0x10960];
	v10 =	vadd.f32 v10, v52;
	v3 =	vadd.f32 v14, v3  }
0x13f: {  	v56 =	vld [tilespmem:s25+$0x10970];
	v4 =	vadd.f32 v16, v4;
	v11 =	vadd.f32 v12, v11  }
0x140: {  	v57 =	vld [tilespmem:s25+$0x109E0];
	v2 =	vadd.f32 v51, v2;
	v3 =	vadd.f32 v13, v3  }
0x141: {  	v58 =	vld [tilespmem:s25+$0x109F0];
	s24 =	sshll.u32 s24, $0x7;
	v5 =	vmul.f32 $4.999999890e-03, v5;
	v4 =	vadd.f32 v53, v4;
	v9 =	vadd.f32 v9, v11  }
0x142: {  	s24 =	sand.u32 $0x3FFFFF80, s24;
	v59 =	vmul.f32 $4.999999890e-03, v7;
	v2 =	vadd.f32 v54, v2;
	v3 =	vadd.f32 v6, v3  }
0x143: {  	v60 =	vmul.f32 $4.999999890e-03, v8;
	[tilespmem:s24+$0x12C00] =	vst v5;
	v4 =	vadd.f32 v55, v4;
	v0 =	vadd.f32 v0, v9  }
0x144: {  	s23 =	sadd.s32 $0x1, s23;
	v61 =	vmul.f32 $4.999999890e-03, v10;
	[tilespmem:s24+$0x12C10] =	vst v59;
	v2 =	vadd.f32 v56, v2;
	v1 =	vadd.f32 v1, v3  }
0x145: {  	p0 =	sne.s32 s23, $0x40;
	[tilespmem:s24+$0x12C20] =	vst v60;
	v4 =	vadd.f32 v57, v4;
	v0 =	vmul.f32 $4.999999890e-03, v0  }
.Ltmp4:
0x146: {  	[tilespmem:s24+$0x12C30] =	vst v61;
	v2 =	vadd.f32 v58, v2;
	v1 =	vmul.f32 $4.999999890e-03, v1;
	(pc) =	sbr.rel @p0 .LBB2_2-.Ltmp4, $4  }
0x147: {  	[tilespmem:s24+$0x12C40] =	vst v0;
	v62 =	vmul.f32 $4.999999890e-03, v4  }
0x148: {  	[tilespmem:s24+$0x12C50] =	vst v1;
	v63 =	vmul.f32 $4.999999890e-03, v2  }
0x149: {  	[tilespmem:s24+$0x12C60] =	vst v62  }
0x14a: {  	[tilespmem:s24+$0x12C70] =	vst v63  }
0x14b: {  	s22 =	sadd.s32 $0x1, s22  }
0x14c: {  	p0 =	sne.s32 s22, s8  }
.Ltmp5:
0x14d: {  	_ = 	snop;
	(pc) =	sbr.rel @p0 .LBB2_1-.Ltmp5, $4  }
0x14e: {  	[hbm4b:s7+s3] =	stream.linear.scatter [tilespmem:s21], [sflag:$0x4], $0x4000, $0x38;
	[tilespmem:$0x1AC80] =	vst v63  }
0x14f: {  	_ =	swait.ge [sflag:s10], $0x4000  }
0x150: {  	[sflag:s10] =	ssyncset.done $0x0  }
0x151: {  	[sflag:s10] =	ssyncadd.s32 $0xFFFFC000  }
0x152: {  	_ =	sfence.sel $0x180000  }
0x153: {  	[bflag:$0x0] =	sbarrier.arrive $0xFFFF  }
0x154: {  	p0 =	sne.s32 s0, $0x0;
	_ =	strace $0x90000047  }
0x155: {  	s0 =	sadd.s32 @!p0 $0x100000, s2;
	[bflag:$0x2] =	sbarrier.arrive $0xFFFF  }
0x156: {  	[sflag:s0] =	ssyncadd.tile.s32 @!p0 $0x1;
	_ =	shalt  }
.Lfunc_end2:
_tile_overlayer_lowered:
.L_overlay_start_2:
0x157: {  	(tag) =	ssettag $0x2  }
0x158: {  	s0 =	rddreg [dreg:$0x0];
	s2 =	stileid.u32  }
0x159: {  	s1 =	rddreg [dreg:$0x1];
	p0 =	sne.s32 s2, $0x0  }
0x15a: {  	s3 =	rddreg [dreg:$0x2];
	[bflag:$0x3] =	sbarrier.arrive $0xFFFF;
	s2 =	simm.s32 @!p0 $0x1C04  }
0x15b: {  	[timem:s3], [sflag:s2] =	dma.local @!p0 [hbm:s0], s1  }
0x15c: {  	s0 =	simm.s32 @!p0 $0x4  }
0x15d: {  	_ =	swait.ge @!p0 [sflag:s0], s1  }
0x15e: {  	s1 =	ssub.s32 @!p0 $0x0, s1;
	[sflag:s0] =	ssyncset.done @!p0 $0x0  }
0x15f: {  	[sflag:s0] =	ssyncadd.s32 @!p0 s1  }
0x160: {  	[bflag:$0x3] =	sbarrier.arrive $0xFFFF  }
0x161: {  	_ =	shalt  }

</sc_bundles>
